<compile_context>
chip_gen: v7x
topology: tpu7x:2x2x1
jax: 0.10.2.dev20260603
libtpu: 0.0.44.dev20260713+nightly
codegen_flags: <defaults>
</compile_context>

<pallas_src>
import functools

import jax
import jax.numpy as jnp
from jax import lax
from jax.experimental import pallas as pl
from jax.experimental.pallas import tpu as pltpu
from jax.experimental.pallas import tpu_sc as plsc

_L = 16
_NC, _NS = 2, 16
_NW = _NC * _NS
_ROW = 32768
_CHUNK = 16384
_NCH = 3
_NBUF = 3
_SC_ROWS = 48
_UNROLL = 8
_BIG = 2**31 - 1
_RBLK = 8
_RGRID = 32 // _RBLK


def _scan_chunk(buf):
    U = _UNROLL

    def body(i, carry):
        bs, ss = list(carry[0]), list(carry[1])
        for u in range(U):
            v = buf[pl.ds((i * U + u) * _L, _L)]
            m = v > bs[u]
            bs[u] = jnp.where(m, v, bs[u])
            ss[u] = jnp.where(m, i, ss[u])
        return tuple(bs), tuple(ss)

    init = (tuple(jnp.full((_L,), -jnp.inf, jnp.float32) for _ in range(U)),
            tuple(jnp.zeros((_L,), jnp.int32) for _ in range(U)))
    bs, ss = lax.fori_loop(0, _CHUNK // _L // U, body, init)

    lanes = lax.broadcasted_iota(jnp.int32, (_L,), 0)
    pairs = [(bs[u], (ss[u] << 7) + (u << 4) + lanes) for u in range(U)]
    while len(pairs) > 1:
        nxt = []
        for a in range(0, len(pairs), 2):
            (va, ia), (vb, ib) = pairs[a], pairs[a + 1]
            m = (va > vb) | ((va == vb) & (ia < ib))
            nxt.append((jnp.where(m, va, vb), jnp.where(m, ia, ib)))
        pairs = nxt
    return pairs[0]


def _sc_body(x1_hbm, pval_hbm, pidx_hbm,
             buf0, buf1, buf2, pvb, pib, sem0, sem1, sem2):
    wid = lax.axis_index("s") * _NC + lax.axis_index("c")
    bufs, sems = (buf0, buf1, buf2), (sem0, sem1, sem2)
    handles = [None] * _NCH
    per_row = _ROW // _CHUNK

    def issue(k):
        h = _NCH * wid + k
        row = h // per_row
        col = (h % per_row) * _CHUNK
        handles[k] = pltpu.async_copy(x1_hbm.at[row, pl.ds(col, _CHUNK)],
                                      bufs[k % _NBUF], sems[k % _NBUF])

    for k in range(_NBUF):
        issue(k)
    best = None
    for k in range(_NCH):
        handles[k].wait()
        bc, ci = _scan_chunk(bufs[k % _NBUF])
        if k + _NBUF < _NCH:
            issue(k + _NBUF)
        absi = k * _CHUNK + ci
        if best is None:
            best = (bc, absi)
        else:
            b0, i0 = best
            m = bc > b0
            best = (jnp.where(m, bc, b0), jnp.where(m, absi, i0))

    pvb[...] = best[0]
    pib[...] = wid * (_NCH * _CHUNK) + best[1]
    cv = pltpu.async_copy(pvb, pval_hbm.at[wid], sem0)
    ci_ = pltpu.async_copy(pib, pidx_hbm.at[wid], sem1)
    cv.wait()
    ci_.wait()


_sc_x1_partial = functools.partial(
    pl.kernel,
    out_type=[
        jax.ShapeDtypeStruct((_NW, _L), jnp.float32),
        jax.ShapeDtypeStruct((_NW, _L), jnp.int32),
    ],
    mesh=plsc.VectorSubcoreMesh(core_axis_name="c", subcore_axis_name="s"),
    scratch_types=[
        pltpu.VMEM((_CHUNK,), jnp.float32),
        pltpu.VMEM((_CHUNK,), jnp.float32),
        pltpu.VMEM((_CHUNK,), jnp.float32),
        pltpu.VMEM((_L,), jnp.float32),
        pltpu.VMEM((_L,), jnp.int32),
        pltpu.SemaphoreType.DMA,
        pltpu.SemaphoreType.DMA,
        pltpu.SemaphoreType.DMA,
    ],
)(_sc_body)


def _row_argmax(x):
    m = jnp.max(x, axis=1, keepdims=True)
    idx = lax.broadcasted_iota(jnp.int32, x.shape, 1)
    return jnp.min(jnp.where(x == m, idx, _BIG), axis=1)


def _rows_body(a_ref, b_ref, c_ref, ra_ref, xv_ref, xi_ref):
    i = pl.program_id(0)
    ra = _row_argmax(a_ref[...])
    rb = _row_argmax(b_ref[...])
    for j in range(_RGRID):
        @pl.when(i == j)
        def _():
            ra_ref[j * _RBLK:(j + 1) * _RBLK] = ra
            ra_ref[32 + j * _RBLK:32 + (j + 1) * _RBLK] = rb

    @pl.when(i < 2)
    def _():
        x = c_ref[...]
        xarg = _row_argmax(x)
        xmax = jnp.max(x, axis=1)
        for j in range(2):
            @pl.when(i == j)
            def _():
                base = _SC_ROWS + j * 8
                xv_ref[j * 8:(j + 1) * 8] = xmax
                xi_ref[j * 8:(j + 1) * 8] = (
                    (base + lax.broadcasted_iota(jnp.int32, (8,), 0)) * _ROW
                    + xarg)


def _merge_body(pv_ref, pi_ref, xv_ref, xi_ref, ra_ref, o_ref):
    mv = jnp.maximum(jnp.max(pv_ref[...]), jnp.max(xv_ref[...]))
    c1 = jnp.min(jnp.where(pv_ref[...] == mv, pi_ref[...], _BIG))
    c2 = jnp.min(jnp.where(xv_ref[...] == mv, xi_ref[...], _BIG))
    o_ref[...] = ra_ref[...] + jnp.minimum(c1, c2)


def kernel(x1, x2):
    pvals, pidx = _sc_x1_partial(x1)
    rowarg, xv, xi = pl.pallas_call(
        _rows_body,
        grid=(_RGRID,),
        in_specs=[
            pl.BlockSpec((_RBLK, _ROW), lambda i: (i, 0)),
            pl.BlockSpec((_RBLK, _ROW), lambda i: (i + _RGRID, 0)),
            pl.BlockSpec((8, _ROW),
                         lambda i: (jnp.where(i < 2, _SC_ROWS // 8 + i,
                                              _SC_ROWS // 8 + 1), 0)),
        ],
        out_specs=[pl.BlockSpec((64,), lambda i: (0,)),
                   pl.BlockSpec((16,), lambda i: (0,)),
                   pl.BlockSpec((16,), lambda i: (0,))],
        out_shape=[jax.ShapeDtypeStruct((64,), jnp.int32),
                   jax.ShapeDtypeStruct((16,), jnp.float32),
                   jax.ShapeDtypeStruct((16,), jnp.int32)],
    )(x2, x2, x1)
    return pl.pallas_call(
        _merge_body,
        out_shape=jax.ShapeDtypeStruct((64,), jnp.int32),
    )(pvals, pidx, xv, xi, rowarg)

# --- scband reference (transcript-rebuilt; emitter-appended) ---
"""Pipeline reference for scband-argmax-model-48661979463754 (READ-ONLY COPY).

The authoritative reference and input builder live on the scoring server;
editing this copy changes nothing except your own understanding.
"""

import jax, jax.numpy as jnp
import numpy as np

def setup_inputs(seed: int = 0) -> dict:
    key = jax.random.key(seed)
    k1, k2 = jax.random.split(key)
    x1 = jax.random.normal(k1, (64, 32768), dtype=jnp.float32)
    x2 = jax.random.normal(k2, (64, 32768), dtype=jnp.float32)
    return {"x1": x1, "x2": x2}

def reference(x1, x2):
    # torch.argmax(x1) -> global argmax over flattened x1 (scalar int)
    # torch.argmax(x2, dim=-1) -> per-row argmax, shape [64]
    out = jnp.argmax(x1) + jnp.argmax(x2, axis=-1)
    return out

if __name__ == "__main__":
    import jax
    _d = setup_inputs()
    print(jax.jit(kernel)(*tuple(_d.values())))

</pallas_src>

<mosaic_0001>
#map = affine_map<(d0, d1) -> (0, 0)>
module attributes {stable_mosaic.version = 14 : i64} {
  func.func @_sc_body(%arg0: i32, %arg1: i32, %arg2: memref<64x32768xf32, #tpu.memory_space<hbm>>, %arg3: memref<32x16xf32, #tpu.memory_space<hbm>>, %arg4: memref<32x16xi32, #tpu.memory_space<hbm>>, %arg5: memref<16384xf32, #tpu.memory_space<vmem>>, %arg6: memref<16384xf32, #tpu.memory_space<vmem>>, %arg7: memref<16384xf32, #tpu.memory_space<vmem>>, %arg8: memref<16xf32, #tpu.memory_space<vmem>>, %arg9: memref<16xi32, #tpu.memory_space<vmem>>, %arg10: memref<!tpu.dma_semaphore, #tpu.memory_space<semaphore_mem>>, %arg11: memref<!tpu.dma_semaphore, #tpu.memory_space<semaphore_mem>>, %arg12: memref<!tpu.dma_semaphore, #tpu.memory_space<semaphore_mem>>) attributes {dimension_semantics = [#tpu.dimension_semantics<core_parallel>, #tpu.dimension_semantics<subcore_parallel>], iteration_bounds = array<i64: 2, 16>, scalar_prefetch = 0 : i64, scratch_operands = 8 : i64, tpu.core_type = #tpu.core_type<sc_vector_subcore>, window_params = [{transform_indices = #map}, {transform_indices = #map}, {transform_indices = #map}]} {
    %mul3A = arith.constant 2 : i32
    %mul3A_0 = arith.muli %arg1, %mul3A : i32
    %add3A = arith.addi %mul3A_0, %arg0 : i32
    %mul3A_1 = arith.constant 3 : i32
    %mul3A_2 = arith.muli %mul3A_1, %add3A : i32
    %add3A_3 = arith.constant 0 : i32
    %add3A_4 = arith.addi %mul3A_2, %add3A_3 : i32
    %jit3A = arith.constant 2 : i32
    %div3A = arith.divsi %add3A_4, %jit3A : i32
    %sign3A = arith.constant 0 : i32
    %sign3A_5 = arith.cmpi sgt, %add3A_4, %sign3A : i32
    %sign3A_6 = arith.extui %sign3A_5 : i1 to i32
    %sign3A_7 = arith.constant 0 : i32
    %sign3A_8 = arith.cmpi slt, %add3A_4, %sign3A_7 : i32
    %sign3A_9 = arith.extui %sign3A_8 : i1 to i32
    %sign3A_10 = arith.subi %sign3A_6, %sign3A_9 : i32
    %sign3A_11 = arith.constant 0 : i32
    %sign3A_12 = arith.cmpi sgt, %jit3A, %sign3A_11 : i32
    %sign3A_13 = arith.extui %sign3A_12 : i1 to i32
    %sign3A_14 = arith.constant 0 : i32
    %sign3A_15 = arith.cmpi slt, %jit3A, %sign3A_14 : i32
    %sign3A_16 = arith.extui %sign3A_15 : i1 to i32
    %sign3A_17 = arith.subi %sign3A_13, %sign3A_16 : i32
    %ne3A = arith.cmpi ne, %sign3A_10, %sign3A_17 : i32
    %rem3A = arith.remsi %add3A_4, %jit3A : i32
    %ne3A_18 = arith.constant 0 : i32
    %ne3A_19 = arith.cmpi ne, %rem3A, %ne3A_18 : i32
    %and3A = arith.andi %ne3A, %ne3A_19 : i1
    %sub3A = arith.constant 1 : i32
    %sub3A_20 = arith.subi %div3A, %sub3A : i32
    %select_n3A = arith.select %and3A, %sub3A_20, %div3A : i32
    %jit3A_21 = arith.constant 2 : i32
    %eq3A = arith.constant 0 : i32
    %eq3A_22 = arith.cmpi eq, %jit3A_21, %eq3A : i32
    %jit3A_23 = arith.constant 1 : i32
    %select_n3A_24 = arith.select %eq3A_22, %jit3A_23, %jit3A_21 : i32
    %rem3A_25 = arith.remsi %add3A_4, %select_n3A_24 : i32
    %ne3A_26 = arith.constant 0 : i32
    %ne3A_27 = arith.cmpi ne, %rem3A_25, %ne3A_26 : i32
    %lt3A = arith.constant 0 : i32
    %lt3A_28 = arith.cmpi slt, %rem3A_25, %lt3A : i32
    %lt3A_29 = arith.constant 0 : i32
    %lt3A_30 = arith.cmpi slt, %select_n3A_24, %lt3A_29 : i32
    %ne3A_31 = arith.xori %lt3A_28, %lt3A_30 : i1
    %and3A_32 = arith.andi %ne3A_31, %ne3A_27 : i1
    %add3A_33 = arith.addi %rem3A_25, %select_n3A_24 : i32
    %select_n3A_34 = arith.select %and3A_32, %add3A_33, %rem3A_25 : i32
    %mul3A_35 = arith.constant 16384 : i32
    %mul3A_36 = arith.muli %select_n3A_34, %mul3A_35 : i32
    %dma_start3A = tpu.memref_slice %arg2[%select_n3A, %mul3A_36] : memref<64x32768xf32, #tpu.memory_space<hbm>> -> memref<1x16384xf32, #tpu.memory_space<hbm>>
    %dma_start3A_37 = tpu.memref_squeeze %dma_start3A : memref<1x16384xf32, #tpu.memory_space<hbm>> -> memref<16384xf32, #tpu.memory_space<hbm>>
    %dma_start3A_38 = tpu.memref_slice %arg2[%select_n3A, %mul3A_36] : memref<64x32768xf32, #tpu.memory_space<hbm>> -> memref<1x16384xf32, #tpu.memory_space<hbm>>
    %dma_start3A_39 = tpu.memref_squeeze %dma_start3A_38 : memref<1x16384xf32, #tpu.memory_space<hbm>> -> memref<16384xf32, #tpu.memory_space<hbm>>
    tpu.enqueue_dma source(%dma_start3A_39 : memref<16384xf32, #tpu.memory_space<hbm>>) target(%arg5 : memref<16384xf32, #tpu.memory_space<vmem>>) target_semaphore(%arg10 : memref<!tpu.dma_semaphore, #tpu.memory_space<semaphore_mem>>)
    %mul3A_40 = arith.constant 3 : i32
    %mul3A_41 = arith.muli %mul3A_40, %add3A : i32
    %add3A_42 = arith.constant 1 : i32
    %add3A_43 = arith.addi %mul3A_41, %add3A_42 : i32
    %jit3A_44 = arith.constant 2 : i32
    %div3A_45 = arith.divsi %add3A_43, %jit3A_44 : i32
    %sign3A_46 = arith.constant 0 : i32
    %sign3A_47 = arith.cmpi sgt, %add3A_43, %sign3A_46 : i32
    %sign3A_48 = arith.extui %sign3A_47 : i1 to i32
    %sign3A_49 = arith.constant 0 : i32
    %sign3A_50 = arith.cmpi slt, %add3A_43, %sign3A_49 : i32
    %sign3A_51 = arith.extui %sign3A_50 : i1 to i32
    %sign3A_52 = arith.subi %sign3A_48, %sign3A_51 : i32
    %sign3A_53 = arith.constant 0 : i32
    %sign3A_54 = arith.cmpi sgt, %jit3A_44, %sign3A_53 : i32
    %sign3A_55 = arith.extui %sign3A_54 : i1 to i32
    %sign3A_56 = arith.constant 0 : i32
    %sign3A_57 = arith.cmpi slt, %jit3A_44, %sign3A_56 : i32
    %sign3A_58 = arith.extui %sign3A_57 : i1 to i32
    %sign3A_59 = arith.subi %sign3A_55, %sign3A_58 : i32
    %ne3A_60 = arith.cmpi ne, %sign3A_52, %sign3A_59 : i32
    %rem3A_61 = arith.remsi %add3A_43, %jit3A_44 : i32
    %ne3A_62 = arith.constant 0 : i32
    %ne3A_63 = arith.cmpi ne, %rem3A_61, %ne3A_62 : i32
    %and3A_64 = arith.andi %ne3A_60, %ne3A_63 : i1
    %sub3A_65 = arith.constant 1 : i32
    %sub3A_66 = arith.subi %div3A_45, %sub3A_65 : i32
    %select_n3A_67 = arith.select %and3A_64, %sub3A_66, %div3A_45 : i32
    %jit3A_68 = arith.constant 2 : i32
    %eq3A_69 = arith.constant 0 : i32
    %eq3A_70 = arith.cmpi eq, %jit3A_68, %eq3A_69 : i32
    %jit3A_71 = arith.constant 1 : i32
    %select_n3A_72 = arith.select %eq3A_70, %jit3A_71, %jit3A_68 : i32
    %rem3A_73 = arith.remsi %add3A_43, %select_n3A_72 : i32
    %ne3A_74 = arith.constant 0 : i32
    %ne3A_75 = arith.cmpi ne, %rem3A_73, %ne3A_74 : i32
    %lt3A_76 = arith.constant 0 : i32
    %lt3A_77 = arith.cmpi slt, %rem3A_73, %lt3A_76 : i32
    %lt3A_78 = arith.constant 0 : i32
    %lt3A_79 = arith.cmpi slt, %select_n3A_72, %lt3A_78 : i32
    %ne3A_80 = arith.xori %lt3A_77, %lt3A_79 : i1
    %and3A_81 = arith.andi %ne3A_80, %ne3A_75 : i1
    %add3A_82 = arith.addi %rem3A_73, %select_n3A_72 : i32
    %select_n3A_83 = arith.select %and3A_81, %add3A_82, %rem3A_73 : i32
    %mul3A_84 = arith.constant 16384 : i32
    %mul3A_85 = arith.muli %select_n3A_83, %mul3A_84 : i32
    %dma_start3A_86 = tpu.memref_slice %arg2[%select_n3A_67, %mul3A_85] : memref<64x32768xf32, #tpu.memory_space<hbm>> -> memref<1x16384xf32, #tpu.memory_space<hbm>>
    %dma_start3A_87 = tpu.memref_squeeze %dma_start3A_86 : memref<1x16384xf32, #tpu.memory_space<hbm>> -> memref<16384xf32, #tpu.memory_space<hbm>>
    %dma_start3A_88 = tpu.memref_slice %arg2[%select_n3A_67, %mul3A_85] : memref<64x32768xf32, #tpu.memory_space<hbm>> -> memref<1x16384xf32, #tpu.memory_space<hbm>>
    %dma_start3A_89 = tpu.memref_squeeze %dma_start3A_88 : memref<1x16384xf32, #tpu.memory_space<hbm>> -> memref<16384xf32, #tpu.memory_space<hbm>>
    tpu.enqueue_dma source(%dma_start3A_89 : memref<16384xf32, #tpu.memory_space<hbm>>) target(%arg6 : memref<16384xf32, #tpu.memory_space<vmem>>) target_semaphore(%arg11 : memref<!tpu.dma_semaphore, #tpu.memory_space<semaphore_mem>>)
    %mul3A_90 = arith.constant 3 : i32
    %mul3A_91 = arith.muli %mul3A_90, %add3A : i32
    %add3A_92 = arith.constant 2 : i32
    %add3A_93 = arith.addi %mul3A_91, %add3A_92 : i32
    %jit3A_94 = arith.constant 2 : i32
    %div3A_95 = arith.divsi %add3A_93, %jit3A_94 : i32
    %sign3A_96 = arith.constant 0 : i32
    %sign3A_97 = arith.cmpi sgt, %add3A_93, %sign3A_96 : i32
    %sign3A_98 = arith.extui %sign3A_97 : i1 to i32
    %sign3A_99 = arith.constant 0 : i32
    %sign3A_100 = arith.cmpi slt, %add3A_93, %sign3A_99 : i32
    %sign3A_101 = arith.extui %sign3A_100 : i1 to i32
    %sign3A_102 = arith.subi %sign3A_98, %sign3A_101 : i32
    %sign3A_103 = arith.constant 0 : i32
    %sign3A_104 = arith.cmpi sgt, %jit3A_94, %sign3A_103 : i32
    %sign3A_105 = arith.extui %sign3A_104 : i1 to i32
    %sign3A_106 = arith.constant 0 : i32
    %sign3A_107 = arith.cmpi slt, %jit3A_94, %sign3A_106 : i32
    %sign3A_108 = arith.extui %sign3A_107 : i1 to i32
    %sign3A_109 = arith.subi %sign3A_105, %sign3A_108 : i32
    %ne3A_110 = arith.cmpi ne, %sign3A_102, %sign3A_109 : i32
    %rem3A_111 = arith.remsi %add3A_93, %jit3A_94 : i32
    %ne3A_112 = arith.constant 0 : i32
    %ne3A_113 = arith.cmpi ne, %rem3A_111, %ne3A_112 : i32
    %and3A_114 = arith.andi %ne3A_110, %ne3A_113 : i1
    %sub3A_115 = arith.constant 1 : i32
    %sub3A_116 = arith.subi %div3A_95, %sub3A_115 : i32
    %select_n3A_117 = arith.select %and3A_114, %sub3A_116, %div3A_95 : i32
    %jit3A_118 = arith.constant 2 : i32
    %eq3A_119 = arith.constant 0 : i32
    %eq3A_120 = arith.cmpi eq, %jit3A_118, %eq3A_119 : i32
    %jit3A_121 = arith.constant 1 : i32
    %select_n3A_122 = arith.select %eq3A_120, %jit3A_121, %jit3A_118 : i32
    %rem3A_123 = arith.remsi %add3A_93, %select_n3A_122 : i32
    %ne3A_124 = arith.constant 0 : i32
    %ne3A_125 = arith.cmpi ne, %rem3A_123, %ne3A_124 : i32
    %lt3A_126 = arith.constant 0 : i32
    %lt3A_127 = arith.cmpi slt, %rem3A_123, %lt3A_126 : i32
    %lt3A_128 = arith.constant 0 : i32
    %lt3A_129 = arith.cmpi slt, %select_n3A_122, %lt3A_128 : i32
    %ne3A_130 = arith.xori %lt3A_127, %lt3A_129 : i1
    %and3A_131 = arith.andi %ne3A_130, %ne3A_125 : i1
    %add3A_132 = arith.addi %rem3A_123, %select_n3A_122 : i32
    %select_n3A_133 = arith.select %and3A_131, %add3A_132, %rem3A_123 : i32
    %mul3A_134 = arith.constant 16384 : i32
    %mul3A_135 = arith.muli %select_n3A_133, %mul3A_134 : i32
    %dma_start3A_136 = tpu.memref_slice %arg2[%select_n3A_117, %mul3A_135] : memref<64x32768xf32, #tpu.memory_space<hbm>> -> memref<1x16384xf32, #tpu.memory_space<hbm>>
    %dma_start3A_137 = tpu.memref_squeeze %dma_start3A_136 : memref<1x16384xf32, #tpu.memory_space<hbm>> -> memref<16384xf32, #tpu.memory_space<hbm>>
    %dma_start3A_138 = tpu.memref_slice %arg2[%select_n3A_117, %mul3A_135] : memref<64x32768xf32, #tpu.memory_space<hbm>> -> memref<1x16384xf32, #tpu.memory_space<hbm>>
    %dma_start3A_139 = tpu.memref_squeeze %dma_start3A_138 : memref<1x16384xf32, #tpu.memory_space<hbm>> -> memref<16384xf32, #tpu.memory_space<hbm>>
    tpu.enqueue_dma source(%dma_start3A_139 : memref<16384xf32, #tpu.memory_space<hbm>>) target(%arg7 : memref<16384xf32, #tpu.memory_space<vmem>>) target_semaphore(%arg12 : memref<!tpu.dma_semaphore, #tpu.memory_space<semaphore_mem>>)
    %dma_wait3A = tpu.memref_slice %arg2[%select_n3A, %mul3A_36] : memref<64x32768xf32, #tpu.memory_space<hbm>> -> memref<1x16384xf32, #tpu.memory_space<hbm>>
    %dma_wait3A_140 = tpu.memref_squeeze %dma_wait3A : memref<1x16384xf32, #tpu.memory_space<hbm>> -> memref<16384xf32, #tpu.memory_space<hbm>>
    %dma_wait3A_141 = tpu.memref_slice %arg2[%select_n3A, %mul3A_36] : memref<64x32768xf32, #tpu.memory_space<hbm>> -> memref<1x16384xf32, #tpu.memory_space<hbm>>
    %dma_wait3A_142 = tpu.memref_squeeze %dma_wait3A_141 : memref<1x16384xf32, #tpu.memory_space<hbm>> -> memref<16384xf32, #tpu.memory_space<hbm>>
    tpu.wait_dma2 semaphore(%arg10 : memref<!tpu.dma_semaphore, #tpu.memory_space<semaphore_mem>>) src(%dma_wait3A_142 : memref<16384xf32, #tpu.memory_space<hbm>>) dst(%arg5 : memref<16384xf32, #tpu.memory_space<vmem>>)
    %broadcast_in_dim3A = arith.constant 0xFF800000 : f32
    %broadcast_in_dim3A_143 = vector.broadcast %broadcast_in_dim3A : f32 to vector<16xf32>
    %broadcast_in_dim3A_144 = arith.constant 0xFF800000 : f32
    %broadcast_in_dim3A_145 = vector.broadcast %broadcast_in_dim3A_144 : f32 to vector<16xf32>
    %broadcast_in_dim3A_146 = arith.constant 0xFF800000 : f32
    %broadcast_in_dim3A_147 = vector.broadcast %broadcast_in_dim3A_146 : f32 to vector<16xf32>
    %broadcast_in_dim3A_148 = arith.constant 0xFF800000 : f32
    %broadcast_in_dim3A_149 = vector.broadcast %broadcast_in_dim3A_148 : f32 to vector<16xf32>
    %broadcast_in_dim3A_150 = arith.constant 0xFF800000 : f32
    %broadcast_in_dim3A_151 = vector.broadcast %broadcast_in_dim3A_150 : f32 to vector<16xf32>
    %broadcast_in_dim3A_152 = arith.constant 0xFF800000 : f32
    %broadcast_in_dim3A_153 = vector.broadcast %broadcast_in_dim3A_152 : f32 to vector<16xf32>
    %broadcast_in_dim3A_154 = arith.constant 0xFF800000 : f32
    %broadcast_in_dim3A_155 = vector.broadcast %broadcast_in_dim3A_154 : f32 to vector<16xf32>
    %broadcast_in_dim3A_156 = arith.constant 0xFF800000 : f32
    %broadcast_in_dim3A_157 = vector.broadcast %broadcast_in_dim3A_156 : f32 to vector<16xf32>
    %broadcast_in_dim3A_158 = arith.constant 0 : i32
    %broadcast_in_dim3A_159 = vector.broadcast %broadcast_in_dim3A_158 : i32 to vector<16xi32>
    %broadcast_in_dim3A_160 = arith.constant 0 : i32
    %broadcast_in_dim3A_161 = vector.broadcast %broadcast_in_dim3A_160 : i32 to vector<16xi32>
    %broadcast_in_dim3A_162 = arith.constant 0 : i32
    %broadcast_in_dim3A_163 = vector.broadcast %broadcast_in_dim3A_162 : i32 to vector<16xi32>
    %broadcast_in_dim3A_164 = arith.constant 0 : i32
    %broadcast_in_dim3A_165 = vector.broadcast %broadcast_in_dim3A_164 : i32 to vector<16xi32>
    %broadcast_in_dim3A_166 = arith.constant 0 : i32
    %broadcast_in_dim3A_167 = vector.broadcast %broadcast_in_dim3A_166 : i32 to vector<16xi32>
    %broadcast_in_dim3A_168 = arith.constant 0 : i32
    %broadcast_in_dim3A_169 = vector.broadcast %broadcast_in_dim3A_168 : i32 to vector<16xi32>
    %broadcast_in_dim3A_170 = arith.constant 0 : i32
    %broadcast_in_dim3A_171 = vector.broadcast %broadcast_in_dim3A_170 : i32 to vector<16xi32>
    %broadcast_in_dim3A_172 = arith.constant 0 : i32
    %broadcast_in_dim3A_173 = vector.broadcast %broadcast_in_dim3A_172 : i32 to vector<16xi32>
    %scan3A = arith.constant 0 : i32
    %scan3A_174 = arith.constant 128 : i32
    %scan3A_175 = arith.addi %scan3A, %scan3A_174 : i32
    %scan3A_176 = arith.constant 1 : i32
    %scan3A_177:16 = scf.for %scan3A_627 = %scan3A to %scan3A_175 step %scan3A_176 iter_args(%scan3A_628 = %broadcast_in_dim3A_143, %scan3A_629 = %broadcast_in_dim3A_145, %scan3A_630 = %broadcast_in_dim3A_147, %scan3A_631 = %broadcast_in_dim3A_149, %scan3A_632 = %broadcast_in_dim3A_151, %scan3A_633 = %broadcast_in_dim3A_153, %scan3A_634 = %broadcast_in_dim3A_155, %scan3A_635 = %broadcast_in_dim3A_157, %scan3A_636 = %broadcast_in_dim3A_159, %scan3A_637 = %broadcast_in_dim3A_161, %scan3A_638 = %broadcast_in_dim3A_163, %scan3A_639 = %broadcast_in_dim3A_165, %scan3A_640 = %broadcast_in_dim3A_167, %scan3A_641 = %broadcast_in_dim3A_169, %scan3A_642 = %broadcast_in_dim3A_171, %scan3A_643 = %broadcast_in_dim3A_173) -> (vector<16xf32>, vector<16xf32>, vector<16xf32>, vector<16xf32>, vector<16xf32>, vector<16xf32>, vector<16xf32>, vector<16xf32>, vector<16xi32>, vector<16xi32>, vector<16xi32>, vector<16xi32>, vector<16xi32>, vector<16xi32>, vector<16xi32>, vector<16xi32>)  : i32 {
      %mul3A_644 = arith.constant 8 : i32
      %mul3A_645 = arith.muli %scan3A_627, %mul3A_644 : i32
      %add3A_646 = arith.constant 0 : i32
      %add3A_647 = arith.addi %mul3A_645, %add3A_646 : i32
      %mul3A_648 = arith.constant 16 : i32
      %mul3A_649 = arith.muli %add3A_647, %mul3A_648 : i32
      %get3A = arith.index_cast %mul3A_649 : i32 to index
      %get3A_650 = tpu.vector_load %arg5[%get3A] {strides = array<i32>} : memref<16384xf32, #tpu.memory_space<vmem>>, vector<16xf32>,
      %get3A_651 = vector.shape_cast %get3A_650 : vector<16xf32> to vector<16xf32>
      %gt3A_652 = arith.cmpf ogt, %get3A_651, %scan3A_628 : vector<16xf32>
      %select_n3A_653 = arith.select %gt3A_652, %get3A_651, %scan3A_628 : vector<16xi1>, vector<16xf32>
      %broadcast_in_dim3A_654 = vector.broadcast %scan3A_627 : i32 to vector<16xi32>
      %select_n3A_655 = arith.select %gt3A_652, %broadcast_in_dim3A_654, %scan3A_636 : vector<16xi1>, vector<16xi32>
      %mul3A_656 = arith.constant 8 : i32
      %mul3A_657 = arith.muli %scan3A_627, %mul3A_656 : i32
      %add3A_658 = arith.constant 1 : i32
      %add3A_659 = arith.addi %mul3A_657, %add3A_658 : i32
      %mul3A_660 = arith.constant 16 : i32
      %mul3A_661 = arith.muli %add3A_659, %mul3A_660 : i32
      %get3A_662 = arith.index_cast %mul3A_661 : i32 to index
      %get3A_663 = tpu.vector_load %arg5[%get3A_662] {strides = array<i32>} : memref<16384xf32, #tpu.memory_space<vmem>>, vector<16xf32>,
      %get3A_664 = vector.shape_cast %get3A_663 : vector<16xf32> to vector<16xf32>
      %gt3A_665 = arith.cmpf ogt, %get3A_664, %scan3A_629 : vector<16xf32>
      %select_n3A_666 = arith.select %gt3A_665, %get3A_664, %scan3A_629 : vector<16xi1>, vector<16xf32>
      %broadcast_in_dim3A_667 = vector.broadcast %scan3A_627 : i32 to vector<16xi32>
      %select_n3A_668 = arith.select %gt3A_665, %broadcast_in_dim3A_667, %scan3A_637 : vector<16xi1>, vector<16xi32>
      %mul3A_669 = arith.constant 8 : i32
      %mul3A_670 = arith.muli %scan3A_627, %mul3A_669 : i32
      %add3A_671 = arith.constant 2 : i32
      %add3A_672 = arith.addi %mul3A_670, %add3A_671 : i32
      %mul3A_673 = arith.constant 16 : i32
      %mul3A_674 = arith.muli %add3A_672, %mul3A_673 : i32
      %get3A_675 = arith.index_cast %mul3A_674 : i32 to index
      %get3A_676 = tpu.vector_load %arg5[%get3A_675] {strides = array<i32>} : memref<16384xf32, #tpu.memory_space<vmem>>, vector<16xf32>,
      %get3A_677 = vector.shape_cast %get3A_676 : vector<16xf32> to vector<16xf32>
      %gt3A_678 = arith.cmpf ogt, %get3A_677, %scan3A_630 : vector<16xf32>
      %select_n3A_679 = arith.select %gt3A_678, %get3A_677, %scan3A_630 : vector<16xi1>, vector<16xf32>
      %broadcast_in_dim3A_680 = vector.broadcast %scan3A_627 : i32 to vector<16xi32>
      %select_n3A_681 = arith.select %gt3A_678, %broadcast_in_dim3A_680, %scan3A_638 : vector<16xi1>, vector<16xi32>
      %mul3A_682 = arith.constant 8 : i32
      %mul3A_683 = arith.muli %scan3A_627, %mul3A_682 : i32
      %add3A_684 = arith.constant 3 : i32
      %add3A_685 = arith.addi %mul3A_683, %add3A_684 : i32
      %mul3A_686 = arith.constant 16 : i32
      %mul3A_687 = arith.muli %add3A_685, %mul3A_686 : i32
      %get3A_688 = arith.index_cast %mul3A_687 : i32 to index
      %get3A_689 = tpu.vector_load %arg5[%get3A_688] {strides = array<i32>} : memref<16384xf32, #tpu.memory_space<vmem>>, vector<16xf32>,
      %get3A_690 = vector.shape_cast %get3A_689 : vector<16xf32> to vector<16xf32>
      %gt3A_691 = arith.cmpf ogt, %get3A_690, %scan3A_631 : vector<16xf32>
      %select_n3A_692 = arith.select %gt3A_691, %get3A_690, %scan3A_631 : vector<16xi1>, vector<16xf32>
      %broadcast_in_dim3A_693 = vector.broadcast %scan3A_627 : i32 to vector<16xi32>
      %select_n3A_694 = arith.select %gt3A_691, %broadcast_in_dim3A_693, %scan3A_639 : vector<16xi1>, vector<16xi32>
      %mul3A_695 = arith.constant 8 : i32
      %mul3A_696 = arith.muli %scan3A_627, %mul3A_695 : i32
      %add3A_697 = arith.constant 4 : i32
      %add3A_698 = arith.addi %mul3A_696, %add3A_697 : i32
      %mul3A_699 = arith.constant 16 : i32
      %mul3A_700 = arith.muli %add3A_698, %mul3A_699 : i32
      %get3A_701 = arith.index_cast %mul3A_700 : i32 to index
      %get3A_702 = tpu.vector_load %arg5[%get3A_701] {strides = array<i32>} : memref<16384xf32, #tpu.memory_space<vmem>>, vector<16xf32>,
      %get3A_703 = vector.shape_cast %get3A_702 : vector<16xf32> to vector<16xf32>
      %gt3A_704 = arith.cmpf ogt, %get3A_703, %scan3A_632 : vector<16xf32>
      %select_n3A_705 = arith.select %gt3A_704, %get3A_703, %scan3A_632 : vector<16xi1>, vector<16xf32>
      %broadcast_in_dim3A_706 = vector.broadcast %scan3A_627 : i32 to vector<16xi32>
      %select_n3A_707 = arith.select %gt3A_704, %broadcast_in_dim3A_706, %scan3A_640 : vector<16xi1>, vector<16xi32>
      %mul3A_708 = arith.constant 8 : i32
      %mul3A_709 = arith.muli %scan3A_627, %mul3A_708 : i32
      %add3A_710 = arith.constant 5 : i32
      %add3A_711 = arith.addi %mul3A_709, %add3A_710 : i32
      %mul3A_712 = arith.constant 16 : i32
      %mul3A_713 = arith.muli %add3A_711, %mul3A_712 : i32
      %get3A_714 = arith.index_cast %mul3A_713 : i32 to index
      %get3A_715 = tpu.vector_load %arg5[%get3A_714] {strides = array<i32>} : memref<16384xf32, #tpu.memory_space<vmem>>, vector<16xf32>,
      %get3A_716 = vector.shape_cast %get3A_715 : vector<16xf32> to vector<16xf32>
      %gt3A_717 = arith.cmpf ogt, %get3A_716, %scan3A_633 : vector<16xf32>
      %select_n3A_718 = arith.select %gt3A_717, %get3A_716, %scan3A_633 : vector<16xi1>, vector<16xf32>
      %broadcast_in_dim3A_719 = vector.broadcast %scan3A_627 : i32 to vector<16xi32>
      %select_n3A_720 = arith.select %gt3A_717, %broadcast_in_dim3A_719, %scan3A_641 : vector<16xi1>, vector<16xi32>
      %mul3A_721 = arith.constant 8 : i32
      %mul3A_722 = arith.muli %scan3A_627, %mul3A_721 : i32
      %add3A_723 = arith.constant 6 : i32
      %add3A_724 = arith.addi %mul3A_722, %add3A_723 : i32
      %mul3A_725 = arith.constant 16 : i32
      %mul3A_726 = arith.muli %add3A_724, %mul3A_725 : i32
      %get3A_727 = arith.index_cast %mul3A_726 : i32 to index
      %get3A_728 = tpu.vector_load %arg5[%get3A_727] {strides = array<i32>} : memref<16384xf32, #tpu.memory_space<vmem>>, vector<16xf32>,
      %get3A_729 = vector.shape_cast %get3A_728 : vector<16xf32> to vector<16xf32>
      %gt3A_730 = arith.cmpf ogt, %get3A_729, %scan3A_634 : vector<16xf32>
      %select_n3A_731 = arith.select %gt3A_730, %get3A_729, %scan3A_634 : vector<16xi1>, vector<16xf32>
      %broadcast_in_dim3A_732 = vector.broadcast %scan3A_627 : i32 to vector<16xi32>
      %select_n3A_733 = arith.select %gt3A_730, %broadcast_in_dim3A_732, %scan3A_642 : vector<16xi1>, vector<16xi32>
      %mul3A_734 = arith.constant 8 : i32
      %mul3A_735 = arith.muli %scan3A_627, %mul3A_734 : i32
      %add3A_736 = arith.constant 7 : i32
      %add3A_737 = arith.addi %mul3A_735, %add3A_736 : i32
      %mul3A_738 = arith.constant 16 : i32
      %mul3A_739 = arith.muli %add3A_737, %mul3A_738 : i32
      %get3A_740 = arith.index_cast %mul3A_739 : i32 to index
      %get3A_741 = tpu.vector_load %arg5[%get3A_740] {strides = array<i32>} : memref<16384xf32, #tpu.memory_space<vmem>>, vector<16xf32>,
      %get3A_742 = vector.shape_cast %get3A_741 : vector<16xf32> to vector<16xf32>
      %gt3A_743 = arith.cmpf ogt, %get3A_742, %scan3A_635 : vector<16xf32>
      %select_n3A_744 = arith.select %gt3A_743, %get3A_742, %scan3A_635 : vector<16xi1>, vector<16xf32>
      %broadcast_in_dim3A_745 = vector.broadcast %scan3A_627 : i32 to vector<16xi32>
      %select_n3A_746 = arith.select %gt3A_743, %broadcast_in_dim3A_745, %scan3A_643 : vector<16xi1>, vector<16xi32>
      scf.yield %select_n3A_653, %select_n3A_666, %select_n3A_679, %select_n3A_692, %select_n3A_705, %select_n3A_718, %select_n3A_731, %select_n3A_744, %select_n3A_655, %select_n3A_668, %select_n3A_681, %select_n3A_694, %select_n3A_707, %select_n3A_720, %select_n3A_733, %select_n3A_746 : vector<16xf32>, vector<16xf32>, vector<16xf32>, vector<16xf32>, vector<16xf32>, vector<16xf32>, vector<16xf32>, vector<16xf32>, vector<16xi32>, vector<16xi32>, vector<16xi32>, vector<16xi32>, vector<16xi32>, vector<16xi32>, vector<16xi32>, vector<16xi32>
    }
    %scan3A_178 = arith.constant 128 : i32
    %iota3A = tpu.iota {dimensions = array<i32: 0>} : vector<16xi32>
    %shift_left3A = arith.constant 7 : i32
    %shift_left3A_179 = vector.broadcast %shift_left3A : i32 to vector<16xi32>
    %shift_left3A_180 = arith.shli %scan3A_177#8, %shift_left3A_179 : vector<16xi32>
    %add3A_181 = arith.constant 0 : i32
    %add3A_182 = vector.broadcast %add3A_181 : i32 to vector<16xi32>
    %add3A_183 = arith.addi %shift_left3A_180, %add3A_182 : vector<16xi32>
    %add3A_184 = arith.addi %add3A_183, %iota3A : vector<16xi32>
    %shift_left3A_185 = arith.constant 7 : i32
    %shift_left3A_186 = vector.broadcast %shift_left3A_185 : i32 to vector<16xi32>
    %shift_left3A_187 = arith.shli %scan3A_177#9, %shift_left3A_186 : vector<16xi32>
    %add3A_188 = arith.constant 16 : i32
    %add3A_189 = vector.broadcast %add3A_188 : i32 to vector<16xi32>
    %add3A_190 = arith.addi %shift_left3A_187, %add3A_189 : vector<16xi32>
    %add3A_191 = arith.addi %add3A_190, %iota3A : vector<16xi32>
    %shift_left3A_192 = arith.constant 7 : i32
    %shift_left3A_193 = vector.broadcast %shift_left3A_192 : i32 to vector<16xi32>
    %shift_left3A_194 = arith.shli %scan3A_177#10, %shift_left3A_193 : vector<16xi32>
    %add3A_195 = arith.constant 32 : i32
    %add3A_196 = vector.broadcast %add3A_195 : i32 to vector<16xi32>
    %add3A_197 = arith.addi %shift_left3A_194, %add3A_196 : vector<16xi32>
    %add3A_198 = arith.addi %add3A_197, %iota3A : vector<16xi32>
    %shift_left3A_199 = arith.constant 7 : i32
    %shift_left3A_200 = vector.broadcast %shift_left3A_199 : i32 to vector<16xi32>
    %shift_left3A_201 = arith.shli %scan3A_177#11, %shift_left3A_200 : vector<16xi32>
    %add3A_202 = arith.constant 48 : i32
    %add3A_203 = vector.broadcast %add3A_202 : i32 to vector<16xi32>
    %add3A_204 = arith.addi %shift_left3A_201, %add3A_203 : vector<16xi32>
    %add3A_205 = arith.addi %add3A_204, %iota3A : vector<16xi32>
    %shift_left3A_206 = arith.constant 7 : i32
    %shift_left3A_207 = vector.broadcast %shift_left3A_206 : i32 to vector<16xi32>
    %shift_left3A_208 = arith.shli %scan3A_177#12, %shift_left3A_207 : vector<16xi32>
    %add3A_209 = arith.constant 64 : i32
    %add3A_210 = vector.broadcast %add3A_209 : i32 to vector<16xi32>
    %add3A_211 = arith.addi %shift_left3A_208, %add3A_210 : vector<16xi32>
    %add3A_212 = arith.addi %add3A_211, %iota3A : vector<16xi32>
    %shift_left3A_213 = arith.constant 7 : i32
    %shift_left3A_214 = vector.broadcast %shift_left3A_213 : i32 to vector<16xi32>
    %shift_left3A_215 = arith.shli %scan3A_177#13, %shift_left3A_214 : vector<16xi32>
    %add3A_216 = arith.constant 80 : i32
    %add3A_217 = vector.broadcast %add3A_216 : i32 to vector<16xi32>
    %add3A_218 = arith.addi %shift_left3A_215, %add3A_217 : vector<16xi32>
    %add3A_219 = arith.addi %add3A_218, %iota3A : vector<16xi32>
    %shift_left3A_220 = arith.constant 7 : i32
    %shift_left3A_221 = vector.broadcast %shift_left3A_220 : i32 to vector<16xi32>
    %shift_left3A_222 = arith.shli %scan3A_177#14, %shift_left3A_221 : vector<16xi32>
    %add3A_223 = arith.constant 96 : i32
    %add3A_224 = vector.broadcast %add3A_223 : i32 to vector<16xi32>
    %add3A_225 = arith.addi %shift_left3A_222, %add3A_224 : vector<16xi32>
    %add3A_226 = arith.addi %add3A_225, %iota3A : vector<16xi32>
    %shift_left3A_227 = arith.constant 7 : i32
    %shift_left3A_228 = vector.broadcast %shift_left3A_227 : i32 to vector<16xi32>
    %shift_left3A_229 = arith.shli %scan3A_177#15, %shift_left3A_228 : vector<16xi32>
    %add3A_230 = arith.constant 112 : i32
    %add3A_231 = vector.broadcast %add3A_230 : i32 to vector<16xi32>
    %add3A_232 = arith.addi %shift_left3A_229, %add3A_231 : vector<16xi32>
    %add3A_233 = arith.addi %add3A_232, %iota3A : vector<16xi32>
    %gt3A = arith.cmpf ogt, %scan3A_177#0, %scan3A_177#1 : vector<16xf32>
    %eq3A_234 = arith.cmpf oeq, %scan3A_177#0, %scan3A_177#1 : vector<16xf32>
    %lt3A_235 = arith.cmpi slt, %add3A_184, %add3A_191 : vector<16xi32>
    %and3A_236 = arith.andi %eq3A_234, %lt3A_235 : vector<16xi1>
    %or3A = arith.ori %gt3A, %and3A_236 : vector<16xi1>
    %select_n3A_237 = arith.select %or3A, %scan3A_177#0, %scan3A_177#1 : vector<16xi1>, vector<16xf32>
    %select_n3A_238 = arith.select %or3A, %add3A_184, %add3A_191 : vector<16xi1>, vector<16xi32>
    %gt3A_239 = arith.cmpf ogt, %scan3A_177#2, %scan3A_177#3 : vector<16xf32>
    %eq3A_240 = arith.cmpf oeq, %scan3A_177#2, %scan3A_177#3 : vector<16xf32>
    %lt3A_241 = arith.cmpi slt, %add3A_198, %add3A_205 : vector<16xi32>
    %and3A_242 = arith.andi %eq3A_240, %lt3A_241 : vector<16xi1>
    %or3A_243 = arith.ori %gt3A_239, %and3A_242 : vector<16xi1>
    %select_n3A_244 = arith.select %or3A_243, %scan3A_177#2, %scan3A_177#3 : vector<16xi1>, vector<16xf32>
    %select_n3A_245 = arith.select %or3A_243, %add3A_198, %add3A_205 : vector<16xi1>, vector<16xi32>
    %gt3A_246 = arith.cmpf ogt, %scan3A_177#4, %scan3A_177#5 : vector<16xf32>
    %eq3A_247 = arith.cmpf oeq, %scan3A_177#4, %scan3A_177#5 : vector<16xf32>
    %lt3A_248 = arith.cmpi slt, %add3A_212, %add3A_219 : vector<16xi32>
    %and3A_249 = arith.andi %eq3A_247, %lt3A_248 : vector<16xi1>
    %or3A_250 = arith.ori %gt3A_246, %and3A_249 : vector<16xi1>
    %select_n3A_251 = arith.select %or3A_250, %scan3A_177#4, %scan3A_177#5 : vector<16xi1>, vector<16xf32>
    %select_n3A_252 = arith.select %or3A_250, %add3A_212, %add3A_219 : vector<16xi1>, vector<16xi32>
    %gt3A_253 = arith.cmpf ogt, %scan3A_177#6, %scan3A_177#7 : vector<16xf32>
    %eq3A_254 = arith.cmpf oeq, %scan3A_177#6, %scan3A_177#7 : vector<16xf32>
    %lt3A_255 = arith.cmpi slt, %add3A_226, %add3A_233 : vector<16xi32>
    %and3A_256 = arith.andi %eq3A_254, %lt3A_255 : vector<16xi1>
    %or3A_257 = arith.ori %gt3A_253, %and3A_256 : vector<16xi1>
    %select_n3A_258 = arith.select %or3A_257, %scan3A_177#6, %scan3A_177#7 : vector<16xi1>, vector<16xf32>
    %select_n3A_259 = arith.select %or3A_257, %add3A_226, %add3A_233 : vector<16xi1>, vector<16xi32>
    %gt3A_260 = arith.cmpf ogt, %select_n3A_237, %select_n3A_244 : vector<16xf32>
    %eq3A_261 = arith.cmpf oeq, %select_n3A_237, %select_n3A_244 : vector<16xf32>
    %lt3A_262 = arith.cmpi slt, %select_n3A_238, %select_n3A_245 : vector<16xi32>
    %and3A_263 = arith.andi %eq3A_261, %lt3A_262 : vector<16xi1>
    %or3A_264 = arith.ori %gt3A_260, %and3A_263 : vector<16xi1>
    %select_n3A_265 = arith.select %or3A_264, %select_n3A_237, %select_n3A_244 : vector<16xi1>, vector<16xf32>
    %select_n3A_266 = arith.select %or3A_264, %select_n3A_238, %select_n3A_245 : vector<16xi1>, vector<16xi32>
    %gt3A_267 = arith.cmpf ogt, %select_n3A_251, %select_n3A_258 : vector<16xf32>
    %eq3A_268 = arith.cmpf oeq, %select_n3A_251, %select_n3A_258 : vector<16xf32>
    %lt3A_269 = arith.cmpi slt, %select_n3A_252, %select_n3A_259 : vector<16xi32>
    %and3A_270 = arith.andi %eq3A_268, %lt3A_269 : vector<16xi1>
    %or3A_271 = arith.ori %gt3A_267, %and3A_270 : vector<16xi1>
    %select_n3A_272 = arith.select %or3A_271, %select_n3A_251, %select_n3A_258 : vector<16xi1>, vector<16xf32>
    %select_n3A_273 = arith.select %or3A_271, %select_n3A_252, %select_n3A_259 : vector<16xi1>, vector<16xi32>
    %gt3A_274 = arith.cmpf ogt, %select_n3A_265, %select_n3A_272 : vector<16xf32>
    %eq3A_275 = arith.cmpf oeq, %select_n3A_265, %select_n3A_272 : vector<16xf32>
    %lt3A_276 = arith.cmpi slt, %select_n3A_266, %select_n3A_273 : vector<16xi32>
    %and3A_277 = arith.andi %eq3A_275, %lt3A_276 : vector<16xi1>
    %or3A_278 = arith.ori %gt3A_274, %and3A_277 : vector<16xi1>
    %select_n3A_279 = arith.select %or3A_278, %select_n3A_265, %select_n3A_272 : vector<16xi1>, vector<16xf32>
    %select_n3A_280 = arith.select %or3A_278, %select_n3A_266, %select_n3A_273 : vector<16xi1>, vector<16xi32>
    %add3A_281 = arith.constant 0 : i32
    %add3A_282 = vector.broadcast %add3A_281 : i32 to vector<16xi32>
    %add3A_283 = arith.addi %add3A_282, %select_n3A_280 : vector<16xi32>
    %dma_wait3A_284 = tpu.memref_slice %arg2[%select_n3A_67, %mul3A_85] : memref<64x32768xf32, #tpu.memory_space<hbm>> -> memref<1x16384xf32, #tpu.memory_space<hbm>>
    %dma_wait3A_285 = tpu.memref_squeeze %dma_wait3A_284 : memref<1x16384xf32, #tpu.memory_space<hbm>> -> memref<16384xf32, #tpu.memory_space<hbm>>
    %dma_wait3A_286 = tpu.memref_slice %arg2[%select_n3A_67, %mul3A_85] : memref<64x32768xf32, #tpu.memory_space<hbm>> -> memref<1x16384xf32, #tpu.memory_space<hbm>>
    %dma_wait3A_287 = tpu.memref_squeeze %dma_wait3A_286 : memref<1x16384xf32, #tpu.memory_space<hbm>> -> memref<16384xf32, #tpu.memory_space<hbm>>
    tpu.wait_dma2 semaphore(%arg11 : memref<!tpu.dma_semaphore, #tpu.memory_space<semaphore_mem>>) src(%dma_wait3A_287 : memref<16384xf32, #tpu.memory_space<hbm>>) dst(%arg6 : memref<16384xf32, #tpu.memory_space<vmem>>)
    %broadcast_in_dim3A_288 = arith.constant 0xFF800000 : f32
    %broadcast_in_dim3A_289 = vector.broadcast %broadcast_in_dim3A_288 : f32 to vector<16xf32>
    %broadcast_in_dim3A_290 = arith.constant 0xFF800000 : f32
    %broadcast_in_dim3A_291 = vector.broadcast %broadcast_in_dim3A_290 : f32 to vector<16xf32>
    %broadcast_in_dim3A_292 = arith.constant 0xFF800000 : f32
    %broadcast_in_dim3A_293 = vector.broadcast %broadcast_in_dim3A_292 : f32 to vector<16xf32>
    %broadcast_in_dim3A_294 = arith.constant 0xFF800000 : f32
    %broadcast_in_dim3A_295 = vector.broadcast %broadcast_in_dim3A_294 : f32 to vector<16xf32>
    %broadcast_in_dim3A_296 = arith.constant 0xFF800000 : f32
    %broadcast_in_dim3A_297 = vector.broadcast %broadcast_in_dim3A_296 : f32 to vector<16xf32>
    %broadcast_in_dim3A_298 = arith.constant 0xFF800000 : f32
    %broadcast_in_dim3A_299 = vector.broadcast %broadcast_in_dim3A_298 : f32 to vector<16xf32>
    %broadcast_in_dim3A_300 = arith.constant 0xFF800000 : f32
    %broadcast_in_dim3A_301 = vector.broadcast %broadcast_in_dim3A_300 : f32 to vector<16xf32>
    %broadcast_in_dim3A_302 = arith.constant 0xFF800000 : f32
    %broadcast_in_dim3A_303 = vector.broadcast %broadcast_in_dim3A_302 : f32 to vector<16xf32>
    %broadcast_in_dim3A_304 = arith.constant 0 : i32
    %broadcast_in_dim3A_305 = vector.broadcast %broadcast_in_dim3A_304 : i32 to vector<16xi32>
    %broadcast_in_dim3A_306 = arith.constant 0 : i32
    %broadcast_in_dim3A_307 = vector.broadcast %broadcast_in_dim3A_306 : i32 to vector<16xi32>
    %broadcast_in_dim3A_308 = arith.constant 0 : i32
    %broadcast_in_dim3A_309 = vector.broadcast %broadcast_in_dim3A_308 : i32 to vector<16xi32>
    %broadcast_in_dim3A_310 = arith.constant 0 : i32
    %broadcast_in_dim3A_311 = vector.broadcast %broadcast_in_dim3A_310 : i32 to vector<16xi32>
    %broadcast_in_dim3A_312 = arith.constant 0 : i32
    %broadcast_in_dim3A_313 = vector.broadcast %broadcast_in_dim3A_312 : i32 to vector<16xi32>
    %broadcast_in_dim3A_314 = arith.constant 0 : i32
    %broadcast_in_dim3A_315 = vector.broadcast %broadcast_in_dim3A_314 : i32 to vector<16xi32>
    %broadcast_in_dim3A_316 = arith.constant 0 : i32
    %broadcast_in_dim3A_317 = vector.broadcast %broadcast_in_dim3A_316 : i32 to vector<16xi32>
    %broadcast_in_dim3A_318 = arith.constant 0 : i32
    %broadcast_in_dim3A_319 = vector.broadcast %broadcast_in_dim3A_318 : i32 to vector<16xi32>
    %scan3A_320 = arith.constant 0 : i32
    %scan3A_321 = arith.constant 128 : i32
    %scan3A_322 = arith.addi %scan3A_320, %scan3A_321 : i32
    %scan3A_323 = arith.constant 1 : i32
    %scan3A_324:16 = scf.for %scan3A_627 = %scan3A_320 to %scan3A_322 step %scan3A_323 iter_args(%scan3A_628 = %broadcast_in_dim3A_289, %scan3A_629 = %broadcast_in_dim3A_291, %scan3A_630 = %broadcast_in_dim3A_293, %scan3A_631 = %broadcast_in_dim3A_295, %scan3A_632 = %broadcast_in_dim3A_297, %scan3A_633 = %broadcast_in_dim3A_299, %scan3A_634 = %broadcast_in_dim3A_301, %scan3A_635 = %broadcast_in_dim3A_303, %scan3A_636 = %broadcast_in_dim3A_305, %scan3A_637 = %broadcast_in_dim3A_307, %scan3A_638 = %broadcast_in_dim3A_309, %scan3A_639 = %broadcast_in_dim3A_311, %scan3A_640 = %broadcast_in_dim3A_313, %scan3A_641 = %broadcast_in_dim3A_315, %scan3A_642 = %broadcast_in_dim3A_317, %scan3A_643 = %broadcast_in_dim3A_319) -> (vector<16xf32>, vector<16xf32>, vector<16xf32>, vector<16xf32>, vector<16xf32>, vector<16xf32>, vector<16xf32>, vector<16xf32>, vector<16xi32>, vector<16xi32>, vector<16xi32>, vector<16xi32>, vector<16xi32>, vector<16xi32>, vector<16xi32>, vector<16xi32>)  : i32 {
      %mul3A_644 = arith.constant 8 : i32
      %mul3A_645 = arith.muli %scan3A_627, %mul3A_644 : i32
      %add3A_646 = arith.constant 0 : i32
      %add3A_647 = arith.addi %mul3A_645, %add3A_646 : i32
      %mul3A_648 = arith.constant 16 : i32
      %mul3A_649 = arith.muli %add3A_647, %mul3A_648 : i32
      %get3A = arith.index_cast %mul3A_649 : i32 to index
      %get3A_650 = tpu.vector_load %arg6[%get3A] {strides = array<i32>} : memref<16384xf32, #tpu.memory_space<vmem>>, vector<16xf32>,
      %get3A_651 = vector.shape_cast %get3A_650 : vector<16xf32> to vector<16xf32>
      %gt3A_652 = arith.cmpf ogt, %get3A_651, %scan3A_628 : vector<16xf32>
      %select_n3A_653 = arith.select %gt3A_652, %get3A_651, %scan3A_628 : vector<16xi1>, vector<16xf32>
      %broadcast_in_dim3A_654 = vector.broadcast %scan3A_627 : i32 to vector<16xi32>
      %select_n3A_655 = arith.select %gt3A_652, %broadcast_in_dim3A_654, %scan3A_636 : vector<16xi1>, vector<16xi32>
      %mul3A_656 = arith.constant 8 : i32
      %mul3A_657 = arith.muli %scan3A_627, %mul3A_656 : i32
      %add3A_658 = arith.constant 1 : i32
      %add3A_659 = arith.addi %mul3A_657, %add3A_658 : i32
      %mul3A_660 = arith.constant 16 : i32
      %mul3A_661 = arith.muli %add3A_659, %mul3A_660 : i32
      %get3A_662 = arith.index_cast %mul3A_661 : i32 to index
      %get3A_663 = tpu.vector_load %arg6[%get3A_662] {strides = array<i32>} : memref<16384xf32, #tpu.memory_space<vmem>>, vector<16xf32>,
      %get3A_664 = vector.shape_cast %get3A_663 : vector<16xf32> to vector<16xf32>
      %gt3A_665 = arith.cmpf ogt, %get3A_664, %scan3A_629 : vector<16xf32>
      %select_n3A_666 = arith.select %gt3A_665, %get3A_664, %scan3A_629 : vector<16xi1>, vector<16xf32>
      %broadcast_in_dim3A_667 = vector.broadcast %scan3A_627 : i32 to vector<16xi32>
      %select_n3A_668 = arith.select %gt3A_665, %broadcast_in_dim3A_667, %scan3A_637 : vector<16xi1>, vector<16xi32>
      %mul3A_669 = arith.constant 8 : i32
      %mul3A_670 = arith.muli %scan3A_627, %mul3A_669 : i32
      %add3A_671 = arith.constant 2 : i32
      %add3A_672 = arith.addi %mul3A_670, %add3A_671 : i32
      %mul3A_673 = arith.constant 16 : i32
      %mul3A_674 = arith.muli %add3A_672, %mul3A_673 : i32
      %get3A_675 = arith.index_cast %mul3A_674 : i32 to index
      %get3A_676 = tpu.vector_load %arg6[%get3A_675] {strides = array<i32>} : memref<16384xf32, #tpu.memory_space<vmem>>, vector<16xf32>,
      %get3A_677 = vector.shape_cast %get3A_676 : vector<16xf32> to vector<16xf32>
      %gt3A_678 = arith.cmpf ogt, %get3A_677, %scan3A_630 : vector<16xf32>
      %select_n3A_679 = arith.select %gt3A_678, %get3A_677, %scan3A_630 : vector<16xi1>, vector<16xf32>
      %broadcast_in_dim3A_680 = vector.broadcast %scan3A_627 : i32 to vector<16xi32>
      %select_n3A_681 = arith.select %gt3A_678, %broadcast_in_dim3A_680, %scan3A_638 : vector<16xi1>, vector<16xi32>
      %mul3A_682 = arith.constant 8 : i32
      %mul3A_683 = arith.muli %scan3A_627, %mul3A_682 : i32
      %add3A_684 = arith.constant 3 : i32
      %add3A_685 = arith.addi %mul3A_683, %add3A_684 : i32
      %mul3A_686 = arith.constant 16 : i32
      %mul3A_687 = arith.muli %add3A_685, %mul3A_686 : i32
      %get3A_688 = arith.index_cast %mul3A_687 : i32 to index
      %get3A_689 = tpu.vector_load %arg6[%get3A_688] {strides = array<i32>} : memref<16384xf32, #tpu.memory_space<vmem>>, vector<16xf32>,
      %get3A_690 = vector.shape_cast %get3A_689 : vector<16xf32> to vector<16xf32>
      %gt3A_691 = arith.cmpf ogt, %get3A_690, %scan3A_631 : vector<16xf32>
      %select_n3A_692 = arith.select %gt3A_691, %get3A_690, %scan3A_631 : vector<16xi1>, vector<16xf32>
      %broadcast_in_dim3A_693 = vector.broadcast %scan3A_627 : i32 to vector<16xi32>
      %select_n3A_694 = arith.select %gt3A_691, %broadcast_in_dim3A_693, %scan3A_639 : vector<16xi1>, vector<16xi32>
      %mul3A_695 = arith.constant 8 : i32
      %mul3A_696 = arith.muli %scan3A_627, %mul3A_695 : i32
      %add3A_697 = arith.constant 4 : i32
      %add3A_698 = arith.addi %mul3A_696, %add3A_697 : i32
      %mul3A_699 = arith.constant 16 : i32
      %mul3A_700 = arith.muli %add3A_698, %mul3A_699 : i32
      %get3A_701 = arith.index_cast %mul3A_700 : i32 to index
      %get3A_702 = tpu.vector_load %arg6[%get3A_701] {strides = array<i32>} : memref<16384xf32, #tpu.memory_space<vmem>>, vector<16xf32>,
      %get3A_703 = vector.shape_cast %get3A_702 : vector<16xf32> to vector<16xf32>
      %gt3A_704 = arith.cmpf ogt, %get3A_703, %scan3A_632 : vector<16xf32>
      %select_n3A_705 = arith.select %gt3A_704, %get3A_703, %scan3A_632 : vector<16xi1>, vector<16xf32>
      %broadcast_in_dim3A_706 = vector.broadcast %scan3A_627 : i32 to vector<16xi32>
      %select_n3A_707 = arith.select %gt3A_704, %broadcast_in_dim3A_706, %scan3A_640 : vector<16xi1>, vector<16xi32>
      %mul3A_708 = arith.constant 8 : i32
      %mul3A_709 = arith.muli %scan3A_627, %mul3A_708 : i32
      %add3A_710 = arith.constant 5 : i32
      %add3A_711 = arith.addi %mul3A_709, %add3A_710 : i32
      %mul3A_712 = arith.constant 16 : i32
      %mul3A_713 = arith.muli %add3A_711, %mul3A_712 : i32
      %get3A_714 = arith.index_cast %mul3A_713 : i32 to index
      %get3A_715 = tpu.vector_load %arg6[%get3A_714] {strides = array<i32>} : memref<16384xf32, #tpu.memory_space<vmem>>, vector<16xf32>,
      %get3A_716 = vector.shape_cast %get3A_715 : vector<16xf32> to vector<16xf32>
      %gt3A_717 = arith.cmpf ogt, %get3A_716, %scan3A_633 : vector<16xf32>
      %select_n3A_718 = arith.select %gt3A_717, %get3A_716, %scan3A_633 : vector<16xi1>, vector<16xf32>
      %broadcast_in_dim3A_719 = vector.broadcast %scan3A_627 : i32 to vector<16xi32>
      %select_n3A_720 = arith.select %gt3A_717, %broadcast_in_dim3A_719, %scan3A_641 : vector<16xi1>, vector<16xi32>
      %mul3A_721 = arith.constant 8 : i32
      %mul3A_722 = arith.muli %scan3A_627, %mul3A_721 : i32
      %add3A_723 = arith.constant 6 : i32
      %add3A_724 = arith.addi %mul3A_722, %add3A_723 : i32
      %mul3A_725 = arith.constant 16 : i32
      %mul3A_726 = arith.muli %add3A_724, %mul3A_725 : i32
      %get3A_727 = arith.index_cast %mul3A_726 : i32 to index
      %get3A_728 = tpu.vector_load %arg6[%get3A_727] {strides = array<i32>} : memref<16384xf32, #tpu.memory_space<vmem>>, vector<16xf32>,
      %get3A_729 = vector.shape_cast %get3A_728 : vector<16xf32> to vector<16xf32>
      %gt3A_730 = arith.cmpf ogt, %get3A_729, %scan3A_634 : vector<16xf32>
      %select_n3A_731 = arith.select %gt3A_730, %get3A_729, %scan3A_634 : vector<16xi1>, vector<16xf32>
      %broadcast_in_dim3A_732 = vector.broadcast %scan3A_627 : i32 to vector<16xi32>
      %select_n3A_733 = arith.select %gt3A_730, %broadcast_in_dim3A_732, %scan3A_642 : vector<16xi1>, vector<16xi32>
      %mul3A_734 = arith.constant 8 : i32
      %mul3A_735 = arith.muli %scan3A_627, %mul3A_734 : i32
      %add3A_736 = arith.constant 7 : i32
      %add3A_737 = arith.addi %mul3A_735, %add3A_736 : i32
      %mul3A_738 = arith.constant 16 : i32
      %mul3A_739 = arith.muli %add3A_737, %mul3A_738 : i32
      %get3A_740 = arith.index_cast %mul3A_739 : i32 to index
      %get3A_741 = tpu.vector_load %arg6[%get3A_740] {strides = array<i32>} : memref<16384xf32, #tpu.memory_space<vmem>>, vector<16xf32>,
      %get3A_742 = vector.shape_cast %get3A_741 : vector<16xf32> to vector<16xf32>
      %gt3A_743 = arith.cmpf ogt, %get3A_742, %scan3A_635 : vector<16xf32>
      %select_n3A_744 = arith.select %gt3A_743, %get3A_742, %scan3A_635 : vector<16xi1>, vector<16xf32>
      %broadcast_in_dim3A_745 = vector.broadcast %scan3A_627 : i32 to vector<16xi32>
      %select_n3A_746 = arith.select %gt3A_743, %broadcast_in_dim3A_745, %scan3A_643 : vector<16xi1>, vector<16xi32>
      scf.yield %select_n3A_653, %select_n3A_666, %select_n3A_679, %select_n3A_692, %select_n3A_705, %select_n3A_718, %select_n3A_731, %select_n3A_744, %select_n3A_655, %select_n3A_668, %select_n3A_681, %select_n3A_694, %select_n3A_707, %select_n3A_720, %select_n3A_733, %select_n3A_746 : vector<16xf32>, vector<16xf32>, vector<16xf32>, vector<16xf32>, vector<16xf32>, vector<16xf32>, vector<16xf32>, vector<16xf32>, vector<16xi32>, vector<16xi32>, vector<16xi32>, vector<16xi32>, vector<16xi32>, vector<16xi32>, vector<16xi32>, vector<16xi32>
    }
    %scan3A_325 = arith.constant 128 : i32
    %iota3A_326 = tpu.iota {dimensions = array<i32: 0>} : vector<16xi32>
    %shift_left3A_327 = arith.constant 7 : i32
    %shift_left3A_328 = vector.broadcast %shift_left3A_327 : i32 to vector<16xi32>
    %shift_left3A_329 = arith.shli %scan3A_324#8, %shift_left3A_328 : vector<16xi32>
    %add3A_330 = arith.constant 0 : i32
    %add3A_331 = vector.broadcast %add3A_330 : i32 to vector<16xi32>
    %add3A_332 = arith.addi %shift_left3A_329, %add3A_331 : vector<16xi32>
    %add3A_333 = arith.addi %add3A_332, %iota3A_326 : vector<16xi32>
    %shift_left3A_334 = arith.constant 7 : i32
    %shift_left3A_335 = vector.broadcast %shift_left3A_334 : i32 to vector<16xi32>
    %shift_left3A_336 = arith.shli %scan3A_324#9, %shift_left3A_335 : vector<16xi32>
    %add3A_337 = arith.constant 16 : i32
    %add3A_338 = vector.broadcast %add3A_337 : i32 to vector<16xi32>
    %add3A_339 = arith.addi %shift_left3A_336, %add3A_338 : vector<16xi32>
    %add3A_340 = arith.addi %add3A_339, %iota3A_326 : vector<16xi32>
    %shift_left3A_341 = arith.constant 7 : i32
    %shift_left3A_342 = vector.broadcast %shift_left3A_341 : i32 to vector<16xi32>
    %shift_left3A_343 = arith.shli %scan3A_324#10, %shift_left3A_342 : vector<16xi32>
    %add3A_344 = arith.constant 32 : i32
    %add3A_345 = vector.broadcast %add3A_344 : i32 to vector<16xi32>
    %add3A_346 = arith.addi %shift_left3A_343, %add3A_345 : vector<16xi32>
    %add3A_347 = arith.addi %add3A_346, %iota3A_326 : vector<16xi32>
    %shift_left3A_348 = arith.constant 7 : i32
    %shift_left3A_349 = vector.broadcast %shift_left3A_348 : i32 to vector<16xi32>
    %shift_left3A_350 = arith.shli %scan3A_324#11, %shift_left3A_349 : vector<16xi32>
    %add3A_351 = arith.constant 48 : i32
    %add3A_352 = vector.broadcast %add3A_351 : i32 to vector<16xi32>
    %add3A_353 = arith.addi %shift_left3A_350, %add3A_352 : vector<16xi32>
    %add3A_354 = arith.addi %add3A_353, %iota3A_326 : vector<16xi32>
    %shift_left3A_355 = arith.constant 7 : i32
    %shift_left3A_356 = vector.broadcast %shift_left3A_355 : i32 to vector<16xi32>
    %shift_left3A_357 = arith.shli %scan3A_324#12, %shift_left3A_356 : vector<16xi32>
    %add3A_358 = arith.constant 64 : i32
    %add3A_359 = vector.broadcast %add3A_358 : i32 to vector<16xi32>
    %add3A_360 = arith.addi %shift_left3A_357, %add3A_359 : vector<16xi32>
    %add3A_361 = arith.addi %add3A_360, %iota3A_326 : vector<16xi32>
    %shift_left3A_362 = arith.constant 7 : i32
    %shift_left3A_363 = vector.broadcast %shift_left3A_362 : i32 to vector<16xi32>
    %shift_left3A_364 = arith.shli %scan3A_324#13, %shift_left3A_363 : vector<16xi32>
    %add3A_365 = arith.constant 80 : i32
    %add3A_366 = vector.broadcast %add3A_365 : i32 to vector<16xi32>
    %add3A_367 = arith.addi %shift_left3A_364, %add3A_366 : vector<16xi32>
    %add3A_368 = arith.addi %add3A_367, %iota3A_326 : vector<16xi32>
    %shift_left3A_369 = arith.constant 7 : i32
    %shift_left3A_370 = vector.broadcast %shift_left3A_369 : i32 to vector<16xi32>
    %shift_left3A_371 = arith.shli %scan3A_324#14, %shift_left3A_370 : vector<16xi32>
    %add3A_372 = arith.constant 96 : i32
    %add3A_373 = vector.broadcast %add3A_372 : i32 to vector<16xi32>
    %add3A_374 = arith.addi %shift_left3A_371, %add3A_373 : vector<16xi32>
    %add3A_375 = arith.addi %add3A_374, %iota3A_326 : vector<16xi32>
    %shift_left3A_376 = arith.constant 7 : i32
    %shift_left3A_377 = vector.broadcast %shift_left3A_376 : i32 to vector<16xi32>
    %shift_left3A_378 = arith.shli %scan3A_324#15, %shift_left3A_377 : vector<16xi32>
    %add3A_379 = arith.constant 112 : i32
    %add3A_380 = vector.broadcast %add3A_379 : i32 to vector<16xi32>
    %add3A_381 = arith.addi %shift_left3A_378, %add3A_380 : vector<16xi32>
    %add3A_382 = arith.addi %add3A_381, %iota3A_326 : vector<16xi32>
    %gt3A_383 = arith.cmpf ogt, %scan3A_324#0, %scan3A_324#1 : vector<16xf32>
    %eq3A_384 = arith.cmpf oeq, %scan3A_324#0, %scan3A_324#1 : vector<16xf32>
    %lt3A_385 = arith.cmpi slt, %add3A_333, %add3A_340 : vector<16xi32>
    %and3A_386 = arith.andi %eq3A_384, %lt3A_385 : vector<16xi1>
    %or3A_387 = arith.ori %gt3A_383, %and3A_386 : vector<16xi1>
    %select_n3A_388 = arith.select %or3A_387, %scan3A_324#0, %scan3A_324#1 : vector<16xi1>, vector<16xf32>
    %select_n3A_389 = arith.select %or3A_387, %add3A_333, %add3A_340 : vector<16xi1>, vector<16xi32>
    %gt3A_390 = arith.cmpf ogt, %scan3A_324#2, %scan3A_324#3 : vector<16xf32>
    %eq3A_391 = arith.cmpf oeq, %scan3A_324#2, %scan3A_324#3 : vector<16xf32>
    %lt3A_392 = arith.cmpi slt, %add3A_347, %add3A_354 : vector<16xi32>
    %and3A_393 = arith.andi %eq3A_391, %lt3A_392 : vector<16xi1>
    %or3A_394 = arith.ori %gt3A_390, %and3A_393 : vector<16xi1>
    %select_n3A_395 = arith.select %or3A_394, %scan3A_324#2, %scan3A_324#3 : vector<16xi1>, vector<16xf32>
    %select_n3A_396 = arith.select %or3A_394, %add3A_347, %add3A_354 : vector<16xi1>, vector<16xi32>
    %gt3A_397 = arith.cmpf ogt, %scan3A_324#4, %scan3A_324#5 : vector<16xf32>
    %eq3A_398 = arith.cmpf oeq, %scan3A_324#4, %scan3A_324#5 : vector<16xf32>
    %lt3A_399 = arith.cmpi slt, %add3A_361, %add3A_368 : vector<16xi32>
    %and3A_400 = arith.andi %eq3A_398, %lt3A_399 : vector<16xi1>
    %or3A_401 = arith.ori %gt3A_397, %and3A_400 : vector<16xi1>
    %select_n3A_402 = arith.select %or3A_401, %scan3A_324#4, %scan3A_324#5 : vector<16xi1>, vector<16xf32>
    %select_n3A_403 = arith.select %or3A_401, %add3A_361, %add3A_368 : vector<16xi1>, vector<16xi32>
    %gt3A_404 = arith.cmpf ogt, %scan3A_324#6, %scan3A_324#7 : vector<16xf32>
    %eq3A_405 = arith.cmpf oeq, %scan3A_324#6, %scan3A_324#7 : vector<16xf32>
    %lt3A_406 = arith.cmpi slt, %add3A_375, %add3A_382 : vector<16xi32>
    %and3A_407 = arith.andi %eq3A_405, %lt3A_406 : vector<16xi1>
    %or3A_408 = arith.ori %gt3A_404, %and3A_407 : vector<16xi1>
    %select_n3A_409 = arith.select %or3A_408, %scan3A_324#6, %scan3A_324#7 : vector<16xi1>, vector<16xf32>
    %select_n3A_410 = arith.select %or3A_408, %add3A_375, %add3A_382 : vector<16xi1>, vector<16xi32>
    %gt3A_411 = arith.cmpf ogt, %select_n3A_388, %select_n3A_395 : vector<16xf32>
    %eq3A_412 = arith.cmpf oeq, %select_n3A_388, %select_n3A_395 : vector<16xf32>
    %lt3A_413 = arith.cmpi slt, %select_n3A_389, %select_n3A_396 : vector<16xi32>
    %and3A_414 = arith.andi %eq3A_412, %lt3A_413 : vector<16xi1>
    %or3A_415 = arith.ori %gt3A_411, %and3A_414 : vector<16xi1>
    %select_n3A_416 = arith.select %or3A_415, %select_n3A_388, %select_n3A_395 : vector<16xi1>, vector<16xf32>
    %select_n3A_417 = arith.select %or3A_415, %select_n3A_389, %select_n3A_396 : vector<16xi1>, vector<16xi32>
    %gt3A_418 = arith.cmpf ogt, %select_n3A_402, %select_n3A_409 : vector<16xf32>
    %eq3A_419 = arith.cmpf oeq, %select_n3A_402, %select_n3A_409 : vector<16xf32>
    %lt3A_420 = arith.cmpi slt, %select_n3A_403, %select_n3A_410 : vector<16xi32>
    %and3A_421 = arith.andi %eq3A_419, %lt3A_420 : vector<16xi1>
    %or3A_422 = arith.ori %gt3A_418, %and3A_421 : vector<16xi1>
    %select_n3A_423 = arith.select %or3A_422, %select_n3A_402, %select_n3A_409 : vector<16xi1>, vector<16xf32>
    %select_n3A_424 = arith.select %or3A_422, %select_n3A_403, %select_n3A_410 : vector<16xi1>, vector<16xi32>
    %gt3A_425 = arith.cmpf ogt, %select_n3A_416, %select_n3A_423 : vector<16xf32>
    %eq3A_426 = arith.cmpf oeq, %select_n3A_416, %select_n3A_423 : vector<16xf32>
    %lt3A_427 = arith.cmpi slt, %select_n3A_417, %select_n3A_424 : vector<16xi32>
    %and3A_428 = arith.andi %eq3A_426, %lt3A_427 : vector<16xi1>
    %or3A_429 = arith.ori %gt3A_425, %and3A_428 : vector<16xi1>
    %select_n3A_430 = arith.select %or3A_429, %select_n3A_416, %select_n3A_423 : vector<16xi1>, vector<16xf32>
    %select_n3A_431 = arith.select %or3A_429, %select_n3A_417, %select_n3A_424 : vector<16xi1>, vector<16xi32>
    %add3A_432 = arith.constant 16384 : i32
    %add3A_433 = vector.broadcast %add3A_432 : i32 to vector<16xi32>
    %add3A_434 = arith.addi %add3A_433, %select_n3A_431 : vector<16xi32>
    %gt3A_435 = arith.cmpf ogt, %select_n3A_430, %select_n3A_279 : vector<16xf32>
    %select_n3A_436 = arith.select %gt3A_435, %select_n3A_430, %select_n3A_279 : vector<16xi1>, vector<16xf32>
    %select_n3A_437 = arith.select %gt3A_435, %add3A_434, %add3A_283 : vector<16xi1>, vector<16xi32>
    %dma_wait3A_438 = tpu.memref_slice %arg2[%select_n3A_117, %mul3A_135] : memref<64x32768xf32, #tpu.memory_space<hbm>> -> memref<1x16384xf32, #tpu.memory_space<hbm>>
    %dma_wait3A_439 = tpu.memref_squeeze %dma_wait3A_438 : memref<1x16384xf32, #tpu.memory_space<hbm>> -> memref<16384xf32, #tpu.memory_space<hbm>>
    %dma_wait3A_440 = tpu.memref_slice %arg2[%select_n3A_117, %mul3A_135] : memref<64x32768xf32, #tpu.memory_space<hbm>> -> memref<1x16384xf32, #tpu.memory_space<hbm>>
    %dma_wait3A_441 = tpu.memref_squeeze %dma_wait3A_440 : memref<1x16384xf32, #tpu.memory_space<hbm>> -> memref<16384xf32, #tpu.memory_space<hbm>>
    tpu.wait_dma2 semaphore(%arg12 : memref<!tpu.dma_semaphore, #tpu.memory_space<semaphore_mem>>) src(%dma_wait3A_441 : memref<16384xf32, #tpu.memory_space<hbm>>) dst(%arg7 : memref<16384xf32, #tpu.memory_space<vmem>>)
    %broadcast_in_dim3A_442 = arith.constant 0xFF800000 : f32
    %broadcast_in_dim3A_443 = vector.broadcast %broadcast_in_dim3A_442 : f32 to vector<16xf32>
    %broadcast_in_dim3A_444 = arith.constant 0xFF800000 : f32
    %broadcast_in_dim3A_445 = vector.broadcast %broadcast_in_dim3A_444 : f32 to vector<16xf32>
    %broadcast_in_dim3A_446 = arith.constant 0xFF800000 : f32
    %broadcast_in_dim3A_447 = vector.broadcast %broadcast_in_dim3A_446 : f32 to vector<16xf32>
    %broadcast_in_dim3A_448 = arith.constant 0xFF800000 : f32
    %broadcast_in_dim3A_449 = vector.broadcast %broadcast_in_dim3A_448 : f32 to vector<16xf32>
    %broadcast_in_dim3A_450 = arith.constant 0xFF800000 : f32
    %broadcast_in_dim3A_451 = vector.broadcast %broadcast_in_dim3A_450 : f32 to vector<16xf32>
    %broadcast_in_dim3A_452 = arith.constant 0xFF800000 : f32
    %broadcast_in_dim3A_453 = vector.broadcast %broadcast_in_dim3A_452 : f32 to vector<16xf32>
    %broadcast_in_dim3A_454 = arith.constant 0xFF800000 : f32
    %broadcast_in_dim3A_455 = vector.broadcast %broadcast_in_dim3A_454 : f32 to vector<16xf32>
    %broadcast_in_dim3A_456 = arith.constant 0xFF800000 : f32
    %broadcast_in_dim3A_457 = vector.broadcast %broadcast_in_dim3A_456 : f32 to vector<16xf32>
    %broadcast_in_dim3A_458 = arith.constant 0 : i32
    %broadcast_in_dim3A_459 = vector.broadcast %broadcast_in_dim3A_458 : i32 to vector<16xi32>
    %broadcast_in_dim3A_460 = arith.constant 0 : i32
    %broadcast_in_dim3A_461 = vector.broadcast %broadcast_in_dim3A_460 : i32 to vector<16xi32>
    %broadcast_in_dim3A_462 = arith.constant 0 : i32
    %broadcast_in_dim3A_463 = vector.broadcast %broadcast_in_dim3A_462 : i32 to vector<16xi32>
    %broadcast_in_dim3A_464 = arith.constant 0 : i32
    %broadcast_in_dim3A_465 = vector.broadcast %broadcast_in_dim3A_464 : i32 to vector<16xi32>
    %broadcast_in_dim3A_466 = arith.constant 0 : i32
    %broadcast_in_dim3A_467 = vector.broadcast %broadcast_in_dim3A_466 : i32 to vector<16xi32>
    %broadcast_in_dim3A_468 = arith.constant 0 : i32
    %broadcast_in_dim3A_469 = vector.broadcast %broadcast_in_dim3A_468 : i32 to vector<16xi32>
    %broadcast_in_dim3A_470 = arith.constant 0 : i32
    %broadcast_in_dim3A_471 = vector.broadcast %broadcast_in_dim3A_470 : i32 to vector<16xi32>
    %broadcast_in_dim3A_472 = arith.constant 0 : i32
    %broadcast_in_dim3A_473 = vector.broadcast %broadcast_in_dim3A_472 : i32 to vector<16xi32>
    %scan3A_474 = arith.constant 0 : i32
    %scan3A_475 = arith.constant 128 : i32
    %scan3A_476 = arith.addi %scan3A_474, %scan3A_475 : i32
    %scan3A_477 = arith.constant 1 : i32
    %scan3A_478:16 = scf.for %scan3A_627 = %scan3A_474 to %scan3A_476 step %scan3A_477 iter_args(%scan3A_628 = %broadcast_in_dim3A_443, %scan3A_629 = %broadcast_in_dim3A_445, %scan3A_630 = %broadcast_in_dim3A_447, %scan3A_631 = %broadcast_in_dim3A_449, %scan3A_632 = %broadcast_in_dim3A_451, %scan3A_633 = %broadcast_in_dim3A_453, %scan3A_634 = %broadcast_in_dim3A_455, %scan3A_635 = %broadcast_in_dim3A_457, %scan3A_636 = %broadcast_in_dim3A_459, %scan3A_637 = %broadcast_in_dim3A_461, %scan3A_638 = %broadcast_in_dim3A_463, %scan3A_639 = %broadcast_in_dim3A_465, %scan3A_640 = %broadcast_in_dim3A_467, %scan3A_641 = %broadcast_in_dim3A_469, %scan3A_642 = %broadcast_in_dim3A_471, %scan3A_643 = %broadcast_in_dim3A_473) -> (vector<16xf32>, vector<16xf32>, vector<16xf32>, vector<16xf32>, vector<16xf32>, vector<16xf32>, vector<16xf32>, vector<16xf32>, vector<16xi32>, vector<16xi32>, vector<16xi32>, vector<16xi32>, vector<16xi32>, vector<16xi32>, vector<16xi32>, vector<16xi32>)  : i32 {
      %mul3A_644 = arith.constant 8 : i32
      %mul3A_645 = arith.muli %scan3A_627, %mul3A_644 : i32
      %add3A_646 = arith.constant 0 : i32
      %add3A_647 = arith.addi %mul3A_645, %add3A_646 : i32
      %mul3A_648 = arith.constant 16 : i32
      %mul3A_649 = arith.muli %add3A_647, %mul3A_648 : i32
      %get3A = arith.index_cast %mul3A_649 : i32 to index
      %get3A_650 = tpu.vector_load %arg7[%get3A] {strides = array<i32>} : memref<16384xf32, #tpu.memory_space<vmem>>, vector<16xf32>,
      %get3A_651 = vector.shape_cast %get3A_650 : vector<16xf32> to vector<16xf32>
      %gt3A_652 = arith.cmpf ogt, %get3A_651, %scan3A_628 : vector<16xf32>
      %select_n3A_653 = arith.select %gt3A_652, %get3A_651, %scan3A_628 : vector<16xi1>, vector<16xf32>
      %broadcast_in_dim3A_654 = vector.broadcast %scan3A_627 : i32 to vector<16xi32>
      %select_n3A_655 = arith.select %gt3A_652, %broadcast_in_dim3A_654, %scan3A_636 : vector<16xi1>, vector<16xi32>
      %mul3A_656 = arith.constant 8 : i32
      %mul3A_657 = arith.muli %scan3A_627, %mul3A_656 : i32
      %add3A_658 = arith.constant 1 : i32
      %add3A_659 = arith.addi %mul3A_657, %add3A_658 : i32
      %mul3A_660 = arith.constant 16 : i32
      %mul3A_661 = arith.muli %add3A_659, %mul3A_660 : i32
      %get3A_662 = arith.index_cast %mul3A_661 : i32 to index
      %get3A_663 = tpu.vector_load %arg7[%get3A_662] {strides = array<i32>} : memref<16384xf32, #tpu.memory_space<vmem>>, vector<16xf32>,
      %get3A_664 = vector.shape_cast %get3A_663 : vector<16xf32> to vector<16xf32>
      %gt3A_665 = arith.cmpf ogt, %get3A_664, %scan3A_629 : vector<16xf32>
      %select_n3A_666 = arith.select %gt3A_665, %get3A_664, %scan3A_629 : vector<16xi1>, vector<16xf32>
      %broadcast_in_dim3A_667 = vector.broadcast %scan3A_627 : i32 to vector<16xi32>
      %select_n3A_668 = arith.select %gt3A_665, %broadcast_in_dim3A_667, %scan3A_637 : vector<16xi1>, vector<16xi32>
      %mul3A_669 = arith.constant 8 : i32
      %mul3A_670 = arith.muli %scan3A_627, %mul3A_669 : i32
      %add3A_671 = arith.constant 2 : i32
      %add3A_672 = arith.addi %mul3A_670, %add3A_671 : i32
      %mul3A_673 = arith.constant 16 : i32
      %mul3A_674 = arith.muli %add3A_672, %mul3A_673 : i32
      %get3A_675 = arith.index_cast %mul3A_674 : i32 to index
      %get3A_676 = tpu.vector_load %arg7[%get3A_675] {strides = array<i32>} : memref<16384xf32, #tpu.memory_space<vmem>>, vector<16xf32>,
      %get3A_677 = vector.shape_cast %get3A_676 : vector<16xf32> to vector<16xf32>
      %gt3A_678 = arith.cmpf ogt, %get3A_677, %scan3A_630 : vector<16xf32>
      %select_n3A_679 = arith.select %gt3A_678, %get3A_677, %scan3A_630 : vector<16xi1>, vector<16xf32>
      %broadcast_in_dim3A_680 = vector.broadcast %scan3A_627 : i32 to vector<16xi32>
      %select_n3A_681 = arith.select %gt3A_678, %broadcast_in_dim3A_680, %scan3A_638 : vector<16xi1>, vector<16xi32>
      %mul3A_682 = arith.constant 8 : i32
      %mul3A_683 = arith.muli %scan3A_627, %mul3A_682 : i32
      %add3A_684 = arith.constant 3 : i32
      %add3A_685 = arith.addi %mul3A_683, %add3A_684 : i32
      %mul3A_686 = arith.constant 16 : i32
      %mul3A_687 = arith.muli %add3A_685, %mul3A_686 : i32
      %get3A_688 = arith.index_cast %mul3A_687 : i32 to index
      %get3A_689 = tpu.vector_load %arg7[%get3A_688] {strides = array<i32>} : memref<16384xf32, #tpu.memory_space<vmem>>, vector<16xf32>,
      %get3A_690 = vector.shape_cast %get3A_689 : vector<16xf32> to vector<16xf32>
      %gt3A_691 = arith.cmpf ogt, %get3A_690, %scan3A_631 : vector<16xf32>
      %select_n3A_692 = arith.select %gt3A_691, %get3A_690, %scan3A_631 : vector<16xi1>, vector<16xf32>
      %broadcast_in_dim3A_693 = vector.broadcast %scan3A_627 : i32 to vector<16xi32>
      %select_n3A_694 = arith.select %gt3A_691, %broadcast_in_dim3A_693, %scan3A_639 : vector<16xi1>, vector<16xi32>
      %mul3A_695 = arith.constant 8 : i32
      %mul3A_696 = arith.muli %scan3A_627, %mul3A_695 : i32
      %add3A_697 = arith.constant 4 : i32
      %add3A_698 = arith.addi %mul3A_696, %add3A_697 : i32
      %mul3A_699 = arith.constant 16 : i32
      %mul3A_700 = arith.muli %add3A_698, %mul3A_699 : i32
      %get3A_701 = arith.index_cast %mul3A_700 : i32 to index
      %get3A_702 = tpu.vector_load %arg7[%get3A_701] {strides = array<i32>} : memref<16384xf32, #tpu.memory_space<vmem>>, vector<16xf32>,
      %get3A_703 = vector.shape_cast %get3A_702 : vector<16xf32> to vector<16xf32>
      %gt3A_704 = arith.cmpf ogt, %get3A_703, %scan3A_632 : vector<16xf32>
      %select_n3A_705 = arith.select %gt3A_704, %get3A_703, %scan3A_632 : vector<16xi1>, vector<16xf32>
      %broadcast_in_dim3A_706 = vector.broadcast %scan3A_627 : i32 to vector<16xi32>
      %select_n3A_707 = arith.select %gt3A_704, %broadcast_in_dim3A_706, %scan3A_640 : vector<16xi1>, vector<16xi32>
      %mul3A_708 = arith.constant 8 : i32
      %mul3A_709 = arith.muli %scan3A_627, %mul3A_708 : i32
      %add3A_710 = arith.constant 5 : i32
      %add3A_711 = arith.addi %mul3A_709, %add3A_710 : i32
      %mul3A_712 = arith.constant 16 : i32
      %mul3A_713 = arith.muli %add3A_711, %mul3A_712 : i32
      %get3A_714 = arith.index_cast %mul3A_713 : i32 to index
      %get3A_715 = tpu.vector_load %arg7[%get3A_714] {strides = array<i32>} : memref<16384xf32, #tpu.memory_space<vmem>>, vector<16xf32>,
      %get3A_716 = vector.shape_cast %get3A_715 : vector<16xf32> to vector<16xf32>
      %gt3A_717 = arith.cmpf ogt, %get3A_716, %scan3A_633 : vector<16xf32>
      %select_n3A_718 = arith.select %gt3A_717, %get3A_716, %scan3A_633 : vector<16xi1>, vector<16xf32>
      %broadcast_in_dim3A_719 = vector.broadcast %scan3A_627 : i32 to vector<16xi32>
      %select_n3A_720 = arith.select %gt3A_717, %broadcast_in_dim3A_719, %scan3A_641 : vector<16xi1>, vector<16xi32>
      %mul3A_721 = arith.constant 8 : i32
      %mul3A_722 = arith.muli %scan3A_627, %mul3A_721 : i32
      %add3A_723 = arith.constant 6 : i32
      %add3A_724 = arith.addi %mul3A_722, %add3A_723 : i32
      %mul3A_725 = arith.constant 16 : i32
      %mul3A_726 = arith.muli %add3A_724, %mul3A_725 : i32
      %get3A_727 = arith.index_cast %mul3A_726 : i32 to index
      %get3A_728 = tpu.vector_load %arg7[%get3A_727] {strides = array<i32>} : memref<16384xf32, #tpu.memory_space<vmem>>, vector<16xf32>,
      %get3A_729 = vector.shape_cast %get3A_728 : vector<16xf32> to vector<16xf32>
      %gt3A_730 = arith.cmpf ogt, %get3A_729, %scan3A_634 : vector<16xf32>
      %select_n3A_731 = arith.select %gt3A_730, %get3A_729, %scan3A_634 : vector<16xi1>, vector<16xf32>
      %broadcast_in_dim3A_732 = vector.broadcast %scan3A_627 : i32 to vector<16xi32>
      %select_n3A_733 = arith.select %gt3A_730, %broadcast_in_dim3A_732, %scan3A_642 : vector<16xi1>, vector<16xi32>
      %mul3A_734 = arith.constant 8 : i32
      %mul3A_735 = arith.muli %scan3A_627, %mul3A_734 : i32
      %add3A_736 = arith.constant 7 : i32
      %add3A_737 = arith.addi %mul3A_735, %add3A_736 : i32
      %mul3A_738 = arith.constant 16 : i32
      %mul3A_739 = arith.muli %add3A_737, %mul3A_738 : i32
      %get3A_740 = arith.index_cast %mul3A_739 : i32 to index
      %get3A_741 = tpu.vector_load %arg7[%get3A_740] {strides = array<i32>} : memref<16384xf32, #tpu.memory_space<vmem>>, vector<16xf32>,
      %get3A_742 = vector.shape_cast %get3A_741 : vector<16xf32> to vector<16xf32>
      %gt3A_743 = arith.cmpf ogt, %get3A_742, %scan3A_635 : vector<16xf32>
      %select_n3A_744 = arith.select %gt3A_743, %get3A_742, %scan3A_635 : vector<16xi1>, vector<16xf32>
      %broadcast_in_dim3A_745 = vector.broadcast %scan3A_627 : i32 to vector<16xi32>
      %select_n3A_746 = arith.select %gt3A_743, %broadcast_in_dim3A_745, %scan3A_643 : vector<16xi1>, vector<16xi32>
      scf.yield %select_n3A_653, %select_n3A_666, %select_n3A_679, %select_n3A_692, %select_n3A_705, %select_n3A_718, %select_n3A_731, %select_n3A_744, %select_n3A_655, %select_n3A_668, %select_n3A_681, %select_n3A_694, %select_n3A_707, %select_n3A_720, %select_n3A_733, %select_n3A_746 : vector<16xf32>, vector<16xf32>, vector<16xf32>, vector<16xf32>, vector<16xf32>, vector<16xf32>, vector<16xf32>, vector<16xf32>, vector<16xi32>, vector<16xi32>, vector<16xi32>, vector<16xi32>, vector<16xi32>, vector<16xi32>, vector<16xi32>, vector<16xi32>
    }
    %scan3A_479 = arith.constant 128 : i32
    %iota3A_480 = tpu.iota {dimensions = array<i32: 0>} : vector<16xi32>
    %shift_left3A_481 = arith.constant 7 : i32
    %shift_left3A_482 = vector.broadcast %shift_left3A_481 : i32 to vector<16xi32>
    %shift_left3A_483 = arith.shli %scan3A_478#8, %shift_left3A_482 : vector<16xi32>
    %add3A_484 = arith.constant 0 : i32
    %add3A_485 = vector.broadcast %add3A_484 : i32 to vector<16xi32>
    %add3A_486 = arith.addi %shift_left3A_483, %add3A_485 : vector<16xi32>
    %add3A_487 = arith.addi %add3A_486, %iota3A_480 : vector<16xi32>
    %shift_left3A_488 = arith.constant 7 : i32
    %shift_left3A_489 = vector.broadcast %shift_left3A_488 : i32 to vector<16xi32>
    %shift_left3A_490 = arith.shli %scan3A_478#9, %shift_left3A_489 : vector<16xi32>
    %add3A_491 = arith.constant 16 : i32
    %add3A_492 = vector.broadcast %add3A_491 : i32 to vector<16xi32>
    %add3A_493 = arith.addi %shift_left3A_490, %add3A_492 : vector<16xi32>
    %add3A_494 = arith.addi %add3A_493, %iota3A_480 : vector<16xi32>
    %shift_left3A_495 = arith.constant 7 : i32
    %shift_left3A_496 = vector.broadcast %shift_left3A_495 : i32 to vector<16xi32>
    %shift_left3A_497 = arith.shli %scan3A_478#10, %shift_left3A_496 : vector<16xi32>
    %add3A_498 = arith.constant 32 : i32
    %add3A_499 = vector.broadcast %add3A_498 : i32 to vector<16xi32>
    %add3A_500 = arith.addi %shift_left3A_497, %add3A_499 : vector<16xi32>
    %add3A_501 = arith.addi %add3A_500, %iota3A_480 : vector<16xi32>
    %shift_left3A_502 = arith.constant 7 : i32
    %shift_left3A_503 = vector.broadcast %shift_left3A_502 : i32 to vector<16xi32>
    %shift_left3A_504 = arith.shli %scan3A_478#11, %shift_left3A_503 : vector<16xi32>
    %add3A_505 = arith.constant 48 : i32
    %add3A_506 = vector.broadcast %add3A_505 : i32 to vector<16xi32>
    %add3A_507 = arith.addi %shift_left3A_504, %add3A_506 : vector<16xi32>
    %add3A_508 = arith.addi %add3A_507, %iota3A_480 : vector<16xi32>
    %shift_left3A_509 = arith.constant 7 : i32
    %shift_left3A_510 = vector.broadcast %shift_left3A_509 : i32 to vector<16xi32>
    %shift_left3A_511 = arith.shli %scan3A_478#12, %shift_left3A_510 : vector<16xi32>
    %add3A_512 = arith.constant 64 : i32
    %add3A_513 = vector.broadcast %add3A_512 : i32 to vector<16xi32>
    %add3A_514 = arith.addi %shift_left3A_511, %add3A_513 : vector<16xi32>
    %add3A_515 = arith.addi %add3A_514, %iota3A_480 : vector<16xi32>
    %shift_left3A_516 = arith.constant 7 : i32
    %shift_left3A_517 = vector.broadcast %shift_left3A_516 : i32 to vector<16xi32>
    %shift_left3A_518 = arith.shli %scan3A_478#13, %shift_left3A_517 : vector<16xi32>
    %add3A_519 = arith.constant 80 : i32
    %add3A_520 = vector.broadcast %add3A_519 : i32 to vector<16xi32>
    %add3A_521 = arith.addi %shift_left3A_518, %add3A_520 : vector<16xi32>
    %add3A_522 = arith.addi %add3A_521, %iota3A_480 : vector<16xi32>
    %shift_left3A_523 = arith.constant 7 : i32
    %shift_left3A_524 = vector.broadcast %shift_left3A_523 : i32 to vector<16xi32>
    %shift_left3A_525 = arith.shli %scan3A_478#14, %shift_left3A_524 : vector<16xi32>
    %add3A_526 = arith.constant 96 : i32
    %add3A_527 = vector.broadcast %add3A_526 : i32 to vector<16xi32>
    %add3A_528 = arith.addi %shift_left3A_525, %add3A_527 : vector<16xi32>
    %add3A_529 = arith.addi %add3A_528, %iota3A_480 : vector<16xi32>
    %shift_left3A_530 = arith.constant 7 : i32
    %shift_left3A_531 = vector.broadcast %shift_left3A_530 : i32 to vector<16xi32>
    %shift_left3A_532 = arith.shli %scan3A_478#15, %shift_left3A_531 : vector<16xi32>
    %add3A_533 = arith.constant 112 : i32
    %add3A_534 = vector.broadcast %add3A_533 : i32 to vector<16xi32>
    %add3A_535 = arith.addi %shift_left3A_532, %add3A_534 : vector<16xi32>
    %add3A_536 = arith.addi %add3A_535, %iota3A_480 : vector<16xi32>
    %gt3A_537 = arith.cmpf ogt, %scan3A_478#0, %scan3A_478#1 : vector<16xf32>
    %eq3A_538 = arith.cmpf oeq, %scan3A_478#0, %scan3A_478#1 : vector<16xf32>
    %lt3A_539 = arith.cmpi slt, %add3A_487, %add3A_494 : vector<16xi32>
    %and3A_540 = arith.andi %eq3A_538, %lt3A_539 : vector<16xi1>
    %or3A_541 = arith.ori %gt3A_537, %and3A_540 : vector<16xi1>
    %select_n3A_542 = arith.select %or3A_541, %scan3A_478#0, %scan3A_478#1 : vector<16xi1>, vector<16xf32>
    %select_n3A_543 = arith.select %or3A_541, %add3A_487, %add3A_494 : vector<16xi1>, vector<16xi32>
    %gt3A_544 = arith.cmpf ogt, %scan3A_478#2, %scan3A_478#3 : vector<16xf32>
    %eq3A_545 = arith.cmpf oeq, %scan3A_478#2, %scan3A_478#3 : vector<16xf32>
    %lt3A_546 = arith.cmpi slt, %add3A_501, %add3A_508 : vector<16xi32>
    %and3A_547 = arith.andi %eq3A_545, %lt3A_546 : vector<16xi1>
    %or3A_548 = arith.ori %gt3A_544, %and3A_547 : vector<16xi1>
    %select_n3A_549 = arith.select %or3A_548, %scan3A_478#2, %scan3A_478#3 : vector<16xi1>, vector<16xf32>
    %select_n3A_550 = arith.select %or3A_548, %add3A_501, %add3A_508 : vector<16xi1>, vector<16xi32>
    %gt3A_551 = arith.cmpf ogt, %scan3A_478#4, %scan3A_478#5 : vector<16xf32>
    %eq3A_552 = arith.cmpf oeq, %scan3A_478#4, %scan3A_478#5 : vector<16xf32>
    %lt3A_553 = arith.cmpi slt, %add3A_515, %add3A_522 : vector<16xi32>
    %and3A_554 = arith.andi %eq3A_552, %lt3A_553 : vector<16xi1>
    %or3A_555 = arith.ori %gt3A_551, %and3A_554 : vector<16xi1>
    %select_n3A_556 = arith.select %or3A_555, %scan3A_478#4, %scan3A_478#5 : vector<16xi1>, vector<16xf32>
    %select_n3A_557 = arith.select %or3A_555, %add3A_515, %add3A_522 : vector<16xi1>, vector<16xi32>
    %gt3A_558 = arith.cmpf ogt, %scan3A_478#6, %scan3A_478#7 : vector<16xf32>
    %eq3A_559 = arith.cmpf oeq, %scan3A_478#6, %scan3A_478#7 : vector<16xf32>
    %lt3A_560 = arith.cmpi slt, %add3A_529, %add3A_536 : vector<16xi32>
    %and3A_561 = arith.andi %eq3A_559, %lt3A_560 : vector<16xi1>
    %or3A_562 = arith.ori %gt3A_558, %and3A_561 : vector<16xi1>
    %select_n3A_563 = arith.select %or3A_562, %scan3A_478#6, %scan3A_478#7 : vector<16xi1>, vector<16xf32>
    %select_n3A_564 = arith.select %or3A_562, %add3A_529, %add3A_536 : vector<16xi1>, vector<16xi32>
    %gt3A_565 = arith.cmpf ogt, %select_n3A_542, %select_n3A_549 : vector<16xf32>
    %eq3A_566 = arith.cmpf oeq, %select_n3A_542, %select_n3A_549 : vector<16xf32>
    %lt3A_567 = arith.cmpi slt, %select_n3A_543, %select_n3A_550 : vector<16xi32>
    %and3A_568 = arith.andi %eq3A_566, %lt3A_567 : vector<16xi1>
    %or3A_569 = arith.ori %gt3A_565, %and3A_568 : vector<16xi1>
    %select_n3A_570 = arith.select %or3A_569, %select_n3A_542, %select_n3A_549 : vector<16xi1>, vector<16xf32>
    %select_n3A_571 = arith.select %or3A_569, %select_n3A_543, %select_n3A_550 : vector<16xi1>, vector<16xi32>
    %gt3A_572 = arith.cmpf ogt, %select_n3A_556, %select_n3A_563 : vector<16xf32>
    %eq3A_573 = arith.cmpf oeq, %select_n3A_556, %select_n3A_563 : vector<16xf32>
    %lt3A_574 = arith.cmpi slt, %select_n3A_557, %select_n3A_564 : vector<16xi32>
    %and3A_575 = arith.andi %eq3A_573, %lt3A_574 : vector<16xi1>
    %or3A_576 = arith.ori %gt3A_572, %and3A_575 : vector<16xi1>
    %select_n3A_577 = arith.select %or3A_576, %select_n3A_556, %select_n3A_563 : vector<16xi1>, vector<16xf32>
    %select_n3A_578 = arith.select %or3A_576, %select_n3A_557, %select_n3A_564 : vector<16xi1>, vector<16xi32>
    %gt3A_579 = arith.cmpf ogt, %select_n3A_570, %select_n3A_577 : vector<16xf32>
    %eq3A_580 = arith.cmpf oeq, %select_n3A_570, %select_n3A_577 : vector<16xf32>
    %lt3A_581 = arith.cmpi slt, %select_n3A_571, %select_n3A_578 : vector<16xi32>
    %and3A_582 = arith.andi %eq3A_580, %lt3A_581 : vector<16xi1>
    %or3A_583 = arith.ori %gt3A_579, %and3A_582 : vector<16xi1>
    %select_n3A_584 = arith.select %or3A_583, %select_n3A_570, %select_n3A_577 : vector<16xi1>, vector<16xf32>
    %select_n3A_585 = arith.select %or3A_583, %select_n3A_571, %select_n3A_578 : vector<16xi1>, vector<16xi32>
    %add3A_586 = arith.constant 32768 : i32
    %add3A_587 = vector.broadcast %add3A_586 : i32 to vector<16xi32>
    %add3A_588 = arith.addi %add3A_587, %select_n3A_585 : vector<16xi32>
    %gt3A_589 = arith.cmpf ogt, %select_n3A_584, %select_n3A_436 : vector<16xf32>
    %select_n3A_590 = arith.select %gt3A_589, %select_n3A_584, %select_n3A_436 : vector<16xi1>, vector<16xf32>
    %select_n3A_591 = arith.select %gt3A_589, %add3A_588, %select_n3A_437 : vector<16xi1>, vector<16xi32>
    %swap3A = arith.constant 0 : index
    %swap3A_592 = tpu.vector_load %arg8[%swap3A] {strides = array<i32>} : memref<16xf32, #tpu.memory_space<vmem>>, vector<16xf32>,
    %swap3A_593 = vector.shape_cast %swap3A_592 : vector<16xf32> to vector<16xf32>
    %swap3A_594 = vector.shape_cast %select_n3A_590 : vector<16xf32> to vector<16xf32>
    tpu.vector_store %arg8[%swap3A], %swap3A_594 {strides = array<i32>} : memref<16xf32, #tpu.memory_space<vmem>>, vector<16xf32>,
    %mul3A_595 = arith.constant 49152 : i32
    %mul3A_596 = arith.muli %add3A, %mul3A_595 : i32
    %add3A_597 = vector.broadcast %mul3A_596 : i32 to vector<16xi32>
    %add3A_598 = arith.addi %add3A_597, %select_n3A_591 : vector<16xi32>
    %swap3A_599 = arith.constant 0 : index
    %swap3A_600 = tpu.vector_load %arg9[%swap3A_599] {strides = array<i32>} : memref<16xi32, #tpu.memory_space<vmem>>, vector<16xi32>,
    %swap3A_601 = vector.shape_cast %swap3A_600 : vector<16xi32> to vector<16xi32>
    %swap3A_602 = vector.shape_cast %add3A_598 : vector<16xi32> to vector<16xi32>
    tpu.vector_store %arg9[%swap3A_599], %swap3A_602 {strides = array<i32>} : memref<16xi32, #tpu.memory_space<vmem>>, vector<16xi32>,
    %dma_start3A_603 = arith.constant 0 : i32
    %dma_start3A_604 = tpu.memref_slice %arg3[%add3A, %dma_start3A_603] : memref<32x16xf32, #tpu.memory_space<hbm>> -> memref<1x16xf32, #tpu.memory_space<hbm>>
    %dma_start3A_605 = tpu.memref_squeeze %dma_start3A_604 : memref<1x16xf32, #tpu.memory_space<hbm>> -> memref<16xf32, #tpu.memory_space<hbm>>
    %dma_start3A_606 = arith.constant 0 : i32
    %dma_start3A_607 = tpu.memref_slice %arg3[%add3A, %dma_start3A_606] : memref<32x16xf32, #tpu.memory_space<hbm>> -> memref<1x16xf32, #tpu.memory_space<hbm>>
    %dma_start3A_608 = tpu.memref_squeeze %dma_start3A_607 : memref<1x16xf32, #tpu.memory_space<hbm>> -> memref<16xf32, #tpu.memory_space<hbm>>
    tpu.enqueue_dma source(%arg8 : memref<16xf32, #tpu.memory_space<vmem>>) target(%dma_start3A_608 : memref<16xf32, #tpu.memory_space<hbm>>) target_semaphore(%arg10 : memref<!tpu.dma_semaphore, #tpu.memory_space<semaphore_mem>>)
    %dma_start3A_609 = arith.constant 0 : i32
    %dma_start3A_610 = tpu.memref_slice %arg4[%add3A, %dma_start3A_609] : memref<32x16xi32, #tpu.memory_space<hbm>> -> memref<1x16xi32, #tpu.memory_space<hbm>>
    %dma_start3A_611 = tpu.memref_squeeze %dma_start3A_610 : memref<1x16xi32, #tpu.memory_space<hbm>> -> memref<16xi32, #tpu.memory_space<hbm>>
    %dma_start3A_612 = arith.constant 0 : i32
    %dma_start3A_613 = tpu.memref_slice %arg4[%add3A, %dma_start3A_612] : memref<32x16xi32, #tpu.memory_space<hbm>> -> memref<1x16xi32, #tpu.memory_space<hbm>>
    %dma_start3A_614 = tpu.memref_squeeze %dma_start3A_613 : memref<1x16xi32, #tpu.memory_space<hbm>> -> memref<16xi32, #tpu.memory_space<hbm>>
    tpu.enqueue_dma source(%arg9 : memref<16xi32, #tpu.memory_space<vmem>>) target(%dma_start3A_614 : memref<16xi32, #tpu.memory_space<hbm>>) target_semaphore(%arg11 : memref<!tpu.dma_semaphore, #tpu.memory_space<semaphore_mem>>)
    %dma_wait3A_615 = arith.constant 0 : i32
    %dma_wait3A_616 = tpu.memref_slice %arg3[%add3A, %dma_wait3A_615] : memref<32x16xf32, #tpu.memory_space<hbm>> -> memref<1x16xf32, #tpu.memory_space<hbm>>
    %dma_wait3A_617 = tpu.memref_squeeze %dma_wait3A_616 : memref<1x16xf32, #tpu.memory_space<hbm>> -> memref<16xf32, #tpu.memory_space<hbm>>
    %dma_wait3A_618 = arith.constant 0 : i32
    %dma_wait3A_619 = tpu.memref_slice %arg3[%add3A, %dma_wait3A_618] : memref<32x16xf32, #tpu.memory_space<hbm>> -> memref<1x16xf32, #tpu.memory_space<hbm>>
    %dma_wait3A_620 = tpu.memref_squeeze %dma_wait3A_619 : memref<1x16xf32, #tpu.memory_space<hbm>> -> memref<16xf32, #tpu.memory_space<hbm>>
    tpu.wait_dma2 semaphore(%arg10 : memref<!tpu.dma_semaphore, #tpu.memory_space<semaphore_mem>>) src(%arg8 : memref<16xf32, #tpu.memory_space<vmem>>) dst(%dma_wait3A_620 : memref<16xf32, #tpu.memory_space<hbm>>)
    %dma_wait3A_621 = arith.constant 0 : i32
    %dma_wait3A_622 = tpu.memref_slice %arg4[%add3A, %dma_wait3A_621] : memref<32x16xi32, #tpu.memory_space<hbm>> -> memref<1x16xi32, #tpu.memory_space<hbm>>
    %dma_wait3A_623 = tpu.memref_squeeze %dma_wait3A_622 : memref<1x16xi32, #tpu.memory_space<hbm>> -> memref<16xi32, #tpu.memory_space<hbm>>
    %dma_wait3A_624 = arith.constant 0 : i32
    %dma_wait3A_625 = tpu.memref_slice %arg4[%add3A, %dma_wait3A_624] : memref<32x16xi32, #tpu.memory_space<hbm>> -> memref<1x16xi32, #tpu.memory_space<hbm>>
    %dma_wait3A_626 = tpu.memref_squeeze %dma_wait3A_625 : memref<1x16xi32, #tpu.memory_space<hbm>> -> memref<16xi32, #tpu.memory_space<hbm>>
    tpu.wait_dma2 semaphore(%arg11 : memref<!tpu.dma_semaphore, #tpu.memory_space<semaphore_mem>>) src(%arg9 : memref<16xi32, #tpu.memory_space<vmem>>) dst(%dma_wait3A_626 : memref<16xi32, #tpu.memory_space<hbm>>)
    return
  }
}

module attributes {stable_mosaic.version = 14 : i64} {
  func.func @_rows_body(%arg0: i32, %arg1: memref<8x32768xf32, #tpu.memory_space<vmem>>, %arg2: memref<8x32768xf32, #tpu.memory_space<vmem>>, %arg3: memref<8x32768xf32, #tpu.memory_space<vmem>>, %arg4: memref<64xi32, #tpu.memory_space<vmem>>, %arg5: memref<16xf32, #tpu.memory_space<vmem>>, %arg6: memref<16xi32, #tpu.memory_space<vmem>>) attributes {dimension_semantics = [#tpu.dimension_semantics<arbitrary>], iteration_bounds = array<i64: 4>, scalar_prefetch = 0 : i64, scratch_operands = 0 : i64, tpu.core_type = #tpu.core_type<tc>, window_params = [{transform_indices = @transform_0, window_bounds = array<i64: 8, 32768>}, {transform_indices = @transform_1, window_bounds = array<i64: 8, 32768>}, {transform_indices = @transform_2, window_bounds = array<i64: 8, 32768>}, {pipeline_mode = #tpu.pipeline_mode<synchronous>, transform_indices = @transform_3, window_bounds = array<i64: 64>}, {pipeline_mode = #tpu.pipeline_mode<synchronous>, transform_indices = @transform_4, window_bounds = array<i64: 16>}, {pipeline_mode = #tpu.pipeline_mode<synchronous>, transform_indices = @transform_5, window_bounds = array<i64: 16>}]} {
    %get3A = arith.constant 0 : index
    %get3A_0 = arith.constant 0 : index
    %get3A_1 = vector.load %arg1[%get3A, %get3A_0] : memref<8x32768xf32, #tpu.memory_space<vmem>>, vector<8x32768xf32>
    %reduce_max3A = arith.constant dense<0xFF800000> : vector<8xf32>
    %reduce_max3A_2 = vector.multi_reduction <maximumf>, %get3A_1, %reduce_max3A [1] : vector<8x32768xf32> to vector<8xf32>
    %broadcast_in_dim3A = vector.shape_cast %reduce_max3A_2 : vector<8xf32> to vector<8x1xf32>
    %iota3A = tpu.iota {dimensions = array<i32: 1>} : vector<8x32768xi32>
    %eq3A = vector.broadcast %broadcast_in_dim3A : vector<8x1xf32> to vector<8x32768xf32>
    %eq3A_3 = arith.cmpf oeq, %get3A_1, %eq3A : vector<8x32768xf32>
    %jit3A = arith.constant 2147483647 : i32
    %broadcast_in_dim3A_4 = vector.broadcast %jit3A : i32 to vector<8x32768xi32>
    %select_n3A = arith.select %eq3A_3, %iota3A, %broadcast_in_dim3A_4 : vector<8x32768xi1>, vector<8x32768xi32>
    %reduce_min3A = arith.constant dense<2147483647> : vector<8xi32>
    %reduce_min3A_5 = vector.multi_reduction <minsi>, %select_n3A, %reduce_min3A [1] : vector<8x32768xi32> to vector<8xi32>
    %get3A_6 = arith.constant 0 : index
    %get3A_7 = arith.constant 0 : index
    %get3A_8 = vector.load %arg2[%get3A_6, %get3A_7] : memref<8x32768xf32, #tpu.memory_space<vmem>>, vector<8x32768xf32>
    %reduce_max3A_9 = arith.constant dense<0xFF800000> : vector<8xf32>
    %reduce_max3A_10 = vector.multi_reduction <maximumf>, %get3A_8, %reduce_max3A_9 [1] : vector<8x32768xf32> to vector<8xf32>
    %broadcast_in_dim3A_11 = vector.shape_cast %reduce_max3A_10 : vector<8xf32> to vector<8x1xf32>
    %iota3A_12 = tpu.iota {dimensions = array<i32: 1>} : vector<8x32768xi32>
    %eq3A_13 = vector.broadcast %broadcast_in_dim3A_11 : vector<8x1xf32> to vector<8x32768xf32>
    %eq3A_14 = arith.cmpf oeq, %get3A_8, %eq3A_13 : vector<8x32768xf32>
    %jit3A_15 = arith.constant 2147483647 : i32
    %broadcast_in_dim3A_16 = vector.broadcast %jit3A_15 : i32 to vector<8x32768xi32>
    %select_n3A_17 = arith.select %eq3A_14, %iota3A_12, %broadcast_in_dim3A_16 : vector<8x32768xi1>, vector<8x32768xi32>
    %reduce_min3A_18 = arith.constant dense<2147483647> : vector<8xi32>
    %reduce_min3A_19 = vector.multi_reduction <minsi>, %select_n3A_17, %reduce_min3A_18 [1] : vector<8x32768xi32> to vector<8xi32>
    %eq3A_20 = arith.constant 0 : i32
    %eq3A_21 = arith.cmpi eq, %arg0, %eq3A_20 : i32
    %convert_element_type3A = arith.extui %eq3A_21 : i1 to i32
    %cond3A = arith.constant 0 : i32
    %cond3A_22 = arith.cmpi ne, %convert_element_type3A, %cond3A : i32
    scf.if %cond3A_22 {
      %swap3A = arith.constant 0 : index
      %swap3A_42 = vector.load %arg4[%swap3A] : memref<64xi32, #tpu.memory_space<vmem>>, vector<8xi32>
      tpu.vector_store %arg4[%swap3A], %reduce_min3A_5 {strides = array<i32>} : memref<64xi32, #tpu.memory_space<vmem>>, vector<8xi32>,
      %swap3A_43 = arith.constant 32 : index
      %swap3A_44 = vector.load %arg4[%swap3A_43] : memref<64xi32, #tpu.memory_space<vmem>>, vector<8xi32>
      tpu.vector_store %arg4[%swap3A_43], %reduce_min3A_19 {strides = array<i32>} : memref<64xi32, #tpu.memory_space<vmem>>, vector<8xi32>,
    } else {
    }
    %eq3A_23 = arith.constant 1 : i32
    %eq3A_24 = arith.cmpi eq, %arg0, %eq3A_23 : i32
    %convert_element_type3A_25 = arith.extui %eq3A_24 : i1 to i32
    %cond3A_26 = arith.constant 0 : i32
    %cond3A_27 = arith.cmpi ne, %convert_element_type3A_25, %cond3A_26 : i32
    scf.if %cond3A_27 {
      %swap3A = arith.constant 8 : index
      %swap3A_42 = vector.load %arg4[%swap3A] : memref<64xi32, #tpu.memory_space<vmem>>, vector<8xi32>
      tpu.vector_store %arg4[%swap3A], %reduce_min3A_5 {strides = array<i32>} : memref<64xi32, #tpu.memory_space<vmem>>, vector<8xi32>,
      %swap3A_43 = arith.constant 40 : index
      %swap3A_44 = vector.load %arg4[%swap3A_43] : memref<64xi32, #tpu.memory_space<vmem>>, vector<8xi32>
      tpu.vector_store %arg4[%swap3A_43], %reduce_min3A_19 {strides = array<i32>} : memref<64xi32, #tpu.memory_space<vmem>>, vector<8xi32>,
    } else {
    }
    %eq3A_28 = arith.constant 2 : i32
    %eq3A_29 = arith.cmpi eq, %arg0, %eq3A_28 : i32
    %convert_element_type3A_30 = arith.extui %eq3A_29 : i1 to i32
    %cond3A_31 = arith.constant 0 : i32
    %cond3A_32 = arith.cmpi ne, %convert_element_type3A_30, %cond3A_31 : i32
    scf.if %cond3A_32 {
      %swap3A = arith.constant 16 : index
      %swap3A_42 = vector.load %arg4[%swap3A] : memref<64xi32, #tpu.memory_space<vmem>>, vector<8xi32>
      tpu.vector_store %arg4[%swap3A], %reduce_min3A_5 {strides = array<i32>} : memref<64xi32, #tpu.memory_space<vmem>>, vector<8xi32>,
      %swap3A_43 = arith.constant 48 : index
      %swap3A_44 = vector.load %arg4[%swap3A_43] : memref<64xi32, #tpu.memory_space<vmem>>, vector<8xi32>
      tpu.vector_store %arg4[%swap3A_43], %reduce_min3A_19 {strides = array<i32>} : memref<64xi32, #tpu.memory_space<vmem>>, vector<8xi32>,
    } else {
    }
    %eq3A_33 = arith.constant 3 : i32
    %eq3A_34 = arith.cmpi eq, %arg0, %eq3A_33 : i32
    %convert_element_type3A_35 = arith.extui %eq3A_34 : i1 to i32
    %cond3A_36 = arith.constant 0 : i32
    %cond3A_37 = arith.cmpi ne, %convert_element_type3A_35, %cond3A_36 : i32
    scf.if %cond3A_37 {
      %swap3A = arith.constant 24 : index
      %swap3A_42 = vector.load %arg4[%swap3A] : memref<64xi32, #tpu.memory_space<vmem>>, vector<8xi32>
      tpu.vector_store %arg4[%swap3A], %reduce_min3A_5 {strides = array<i32>} : memref<64xi32, #tpu.memory_space<vmem>>, vector<8xi32>,
      %swap3A_43 = arith.constant 56 : index
      %swap3A_44 = vector.load %arg4[%swap3A_43] : memref<64xi32, #tpu.memory_space<vmem>>, vector<8xi32>
      tpu.vector_store %arg4[%swap3A_43], %reduce_min3A_19 {strides = array<i32>} : memref<64xi32, #tpu.memory_space<vmem>>, vector<8xi32>,
    } else {
    }
    %lt3A = arith.constant 2 : i32
    %lt3A_38 = arith.cmpi slt, %arg0, %lt3A : i32
    %convert_element_type3A_39 = arith.extui %lt3A_38 : i1 to i32
    %cond3A_40 = arith.constant 0 : i32
    %cond3A_41 = arith.cmpi ne, %convert_element_type3A_39, %cond3A_40 : i32
    scf.if %cond3A_41 {
      %get3A_42 = arith.constant 0 : index
      %get3A_43 = arith.constant 0 : index
      %get3A_44 = vector.load %arg3[%get3A_42, %get3A_43] : memref<8x32768xf32, #tpu.memory_space<vmem>>, vector<8x32768xf32>
      %reduce_max3A_45 = arith.constant dense<0xFF800000> : vector<8xf32>
      %reduce_max3A_46 = vector.multi_reduction <maximumf>, %get3A_44, %reduce_max3A_45 [1] : vector<8x32768xf32> to vector<8xf32>
      %broadcast_in_dim3A_47 = vector.shape_cast %reduce_max3A_46 : vector<8xf32> to vector<8x1xf32>
      %iota3A_48 = tpu.iota {dimensions = array<i32: 1>} : vector<8x32768xi32>
      %eq3A_49 = vector.broadcast %broadcast_in_dim3A_47 : vector<8x1xf32> to vector<8x32768xf32>
      %eq3A_50 = arith.cmpf oeq, %get3A_44, %eq3A_49 : vector<8x32768xf32>
      %jit3A_51 = arith.constant 2147483647 : i32
      %broadcast_in_dim3A_52 = vector.broadcast %jit3A_51 : i32 to vector<8x32768xi32>
      %select_n3A_53 = arith.select %eq3A_50, %iota3A_48, %broadcast_in_dim3A_52 : vector<8x32768xi1>, vector<8x32768xi32>
      %reduce_min3A_54 = arith.constant dense<2147483647> : vector<8xi32>
      %reduce_min3A_55 = vector.multi_reduction <minsi>, %select_n3A_53, %reduce_min3A_54 [1] : vector<8x32768xi32> to vector<8xi32>
      %reduce_max3A_56 = arith.constant dense<0xFF800000> : vector<8xf32>
      %reduce_max3A_57 = vector.multi_reduction <maximumf>, %get3A_44, %reduce_max3A_56 [1] : vector<8x32768xf32> to vector<8xf32>
      %eq3A_58 = arith.constant 0 : i32
      %eq3A_59 = arith.cmpi eq, %arg0, %eq3A_58 : i32
      %convert_element_type3A_60 = arith.extui %eq3A_59 : i1 to i32
      %cond3A_61 = arith.constant 0 : i32
      %cond3A_62 = arith.cmpi ne, %convert_element_type3A_60, %cond3A_61 : i32
      scf.if %cond3A_62 {
        %swap3A = arith.constant 0 : index
        %swap3A_68 = vector.load %arg5[%swap3A] : memref<16xf32, #tpu.memory_space<vmem>>, vector<8xf32>
        tpu.vector_store %arg5[%swap3A], %reduce_max3A_57 {strides = array<i32>} : memref<16xf32, #tpu.memory_space<vmem>>, vector<8xf32>,
        %iota3A_69 = tpu.iota {dimensions = array<i32: 1>} : vector<1x8xi32>
        %iota3A_70 = vector.shape_cast %iota3A_69 : vector<1x8xi32> to vector<8xi32>
        %add3A = arith.constant 48 : i32
        %add3A_71 = vector.broadcast %add3A : i32 to vector<8xi32>
        %add3A_72 = arith.addi %add3A_71, %iota3A_70 : vector<8xi32>
        %mul3A = arith.constant 32768 : i32
        %mul3A_73 = vector.broadcast %mul3A : i32 to vector<8xi32>
        %mul3A_74 = arith.muli %add3A_72, %mul3A_73 : vector<8xi32>
        %add3A_75 = arith.addi %mul3A_74, %reduce_min3A_55 : vector<8xi32>
        %swap3A_76 = arith.constant 0 : index
        %swap3A_77 = vector.load %arg6[%swap3A_76] : memref<16xi32, #tpu.memory_space<vmem>>, vector<8xi32>
        tpu.vector_store %arg6[%swap3A_76], %add3A_75 {strides = array<i32>} : memref<16xi32, #tpu.memory_space<vmem>>, vector<8xi32>,
      } else {
      }
      %eq3A_63 = arith.constant 1 : i32
      %eq3A_64 = arith.cmpi eq, %arg0, %eq3A_63 : i32
      %convert_element_type3A_65 = arith.extui %eq3A_64 : i1 to i32
      %cond3A_66 = arith.constant 0 : i32
      %cond3A_67 = arith.cmpi ne, %convert_element_type3A_65, %cond3A_66 : i32
      scf.if %cond3A_67 {
        %swap3A = arith.constant 8 : index
        %swap3A_68 = vector.load %arg5[%swap3A] : memref<16xf32, #tpu.memory_space<vmem>>, vector<8xf32>
        tpu.vector_store %arg5[%swap3A], %reduce_max3A_57 {strides = array<i32>} : memref<16xf32, #tpu.memory_space<vmem>>, vector<8xf32>,
        %iota3A_69 = tpu.iota {dimensions = array<i32: 1>} : vector<1x8xi32>
        %iota3A_70 = vector.shape_cast %iota3A_69 : vector<1x8xi32> to vector<8xi32>
        %add3A = arith.constant 56 : i32
        %add3A_71 = vector.broadcast %add3A : i32 to vector<8xi32>
        %add3A_72 = arith.addi %add3A_71, %iota3A_70 : vector<8xi32>
        %mul3A = arith.constant 32768 : i32
        %mul3A_73 = vector.broadcast %mul3A : i32 to vector<8xi32>
        %mul3A_74 = arith.muli %add3A_72, %mul3A_73 : vector<8xi32>
        %add3A_75 = arith.addi %mul3A_74, %reduce_min3A_55 : vector<8xi32>
        %swap3A_76 = arith.constant 8 : index
        %swap3A_77 = vector.load %arg6[%swap3A_76] : memref<16xi32, #tpu.memory_space<vmem>>, vector<8xi32>
        tpu.vector_store %arg6[%swap3A_76], %add3A_75 {strides = array<i32>} : memref<16xi32, #tpu.memory_space<vmem>>, vector<8xi32>,
      } else {
      }
    } else {
    }
    return
  }
  func.func @transform_0(%arg0: i32) -> (i32, i32) {
    %c0_i32 = arith.constant 0 : i32
    %c0_i32_0 = arith.constant 0 : i32
    return %arg0, %c0_i32 : i32, i32
  }
  func.func @transform_1(%arg0: i32) -> (i32, i32) {
    %add3A = arith.constant 4 : i32
    %add3A_0 = arith.addi %arg0, %add3A : i32
    %c0_i32 = arith.constant 0 : i32
    %c0_i32_1 = arith.constant 0 : i32
    return %add3A_0, %c0_i32 : i32, i32
  }
  func.func @transform_2(%arg0: i32) -> (i32, i32) {
    %lt3A = arith.constant 2 : i32
    %lt3A_0 = arith.cmpi slt, %arg0, %lt3A : i32
    %add3A = arith.constant 6 : i32
    %add3A_1 = arith.addi %add3A, %arg0 : i32
    %jit3A = arith.constant 7 : i32
    %select_n3A = arith.select %lt3A_0, %add3A_1, %jit3A : i32
    %c0_i32 = arith.constant 0 : i32
    %c0_i32_2 = arith.constant 0 : i32
    return %select_n3A, %c0_i32 : i32, i32
  }
  func.func @transform_3(%arg0: i32) -> i32 {
    %c0_i32 = arith.constant 0 : i32
    %c0_i32_0 = arith.constant 0 : i32
    return %c0_i32 : i32
  }
  func.func @transform_4(%arg0: i32) -> i32 {
    %c0_i32 = arith.constant 0 : i32
    %c0_i32_0 = arith.constant 0 : i32
    return %c0_i32 : i32
  }
  func.func @transform_5(%arg0: i32) -> i32 {
    %c0_i32 = arith.constant 0 : i32
    %c0_i32_0 = arith.constant 0 : i32
    return %c0_i32 : i32
  }
}

module attributes {stable_mosaic.version = 14 : i64} {
  func.func @_merge_body(%arg0: memref<32x16xf32, #tpu.memory_space<vmem>>, %arg1: memref<32x16xi32, #tpu.memory_space<vmem>>, %arg2: memref<16xf32, #tpu.memory_space<vmem>>, %arg3: memref<16xi32, #tpu.memory_space<vmem>>, %arg4: memref<64xi32, #tpu.memory_space<vmem>>, %arg5: memref<64xi32, #tpu.memory_space<vmem>>) attributes {dimension_semantics = [], scalar_prefetch = 0 : i64, scratch_operands = 0 : i64, tpu.core_type = #tpu.core_type<tc>} {
    %get3A = arith.constant 0 : index
    %get3A_0 = arith.constant 0 : index
    %get3A_1 = vector.load %arg0[%get3A, %get3A_0] : memref<32x16xf32, #tpu.memory_space<vmem>>, vector<32x16xf32>
    %reduce_max3A = vector.shape_cast %get3A_1 : vector<32x16xf32> to vector<1x32x16xf32>
    %reduce_max3A_2 = arith.constant dense<0xFF800000> : vector<1xf32>
    %reduce_max3A_3 = vector.multi_reduction <maximumf>, %reduce_max3A, %reduce_max3A_2 [1, 2] : vector<1x32x16xf32> to vector<1xf32>
    %reduce_max3A_4 = vector.shape_cast %reduce_max3A_3 : vector<1xf32> to vector<1x1x1xf32>
    %reduce_max3A_5 = vector.extract %reduce_max3A_4[0, 0, 0] : f32 from vector<1x1x1xf32>
    %get3A_6 = arith.constant 0 : index
    %get3A_7 = vector.load %arg2[%get3A_6] : memref<16xf32, #tpu.memory_space<vmem>>, vector<16xf32>
    %reduce_max3A_8 = vector.shape_cast %get3A_7 : vector<16xf32> to vector<1x16xf32>
    %reduce_max3A_9 = arith.constant dense<0xFF800000> : vector<1xf32>
    %reduce_max3A_10 = vector.multi_reduction <maximumf>, %reduce_max3A_8, %reduce_max3A_9 [1] : vector<1x16xf32> to vector<1xf32>
    %reduce_max3A_11 = vector.shape_cast %reduce_max3A_10 : vector<1xf32> to vector<1x1xf32>
    %reduce_max3A_12 = vector.extract %reduce_max3A_11[0, 0] : f32 from vector<1x1xf32>
    %max3A = arith.maximumf %reduce_max3A_5, %reduce_max3A_12 : f32
    %get3A_13 = arith.constant 0 : index
    %get3A_14 = arith.constant 0 : index
    %get3A_15 = vector.load %arg0[%get3A_13, %get3A_14] : memref<32x16xf32, #tpu.memory_space<vmem>>, vector<32x16xf32>
    %eq3A = vector.broadcast %max3A : f32 to vector<32x16xf32>
    %eq3A_16 = arith.cmpf oeq, %get3A_15, %eq3A : vector<32x16xf32>
    %get3A_17 = arith.constant 0 : index
    %get3A_18 = arith.constant 0 : index
    %get3A_19 = vector.load %arg1[%get3A_17, %get3A_18] : memref<32x16xi32, #tpu.memory_space<vmem>>, vector<32x16xi32>
    %jit3A = arith.constant 2147483647 : i32
    %broadcast_in_dim3A = vector.broadcast %jit3A : i32 to vector<32x16xi32>
    %select_n3A = arith.select %eq3A_16, %get3A_19, %broadcast_in_dim3A : vector<32x16xi1>, vector<32x16xi32>
    %reduce_min3A = vector.shape_cast %select_n3A : vector<32x16xi32> to vector<1x32x16xi32>
    %reduce_min3A_20 = arith.constant dense<2147483647> : vector<1xi32>
    %reduce_min3A_21 = vector.multi_reduction <minsi>, %reduce_min3A, %reduce_min3A_20 [1, 2] : vector<1x32x16xi32> to vector<1xi32>
    %reduce_min3A_22 = vector.shape_cast %reduce_min3A_21 : vector<1xi32> to vector<1x1x1xi32>
    %reduce_min3A_23 = vector.extract %reduce_min3A_22[0, 0, 0] : i32 from vector<1x1x1xi32>
    %get3A_24 = arith.constant 0 : index
    %get3A_25 = vector.load %arg2[%get3A_24] : memref<16xf32, #tpu.memory_space<vmem>>, vector<16xf32>
    %eq3A_26 = vector.broadcast %max3A : f32 to vector<16xf32>
    %eq3A_27 = arith.cmpf oeq, %get3A_25, %eq3A_26 : vector<16xf32>
    %get3A_28 = arith.constant 0 : index
    %get3A_29 = vector.load %arg3[%get3A_28] : memref<16xi32, #tpu.memory_space<vmem>>, vector<16xi32>
    %jit3A_30 = arith.constant 2147483647 : i32
    %broadcast_in_dim3A_31 = vector.broadcast %jit3A_30 : i32 to vector<16xi32>
    %select_n3A_32 = arith.select %eq3A_27, %get3A_29, %broadcast_in_dim3A_31 : vector<16xi1>, vector<16xi32>
    %reduce_min3A_33 = vector.shape_cast %select_n3A_32 : vector<16xi32> to vector<1x16xi32>
    %reduce_min3A_34 = arith.constant dense<2147483647> : vector<1xi32>
    %reduce_min3A_35 = vector.multi_reduction <minsi>, %reduce_min3A_33, %reduce_min3A_34 [1] : vector<1x16xi32> to vector<1xi32>
    %reduce_min3A_36 = vector.shape_cast %reduce_min3A_35 : vector<1xi32> to vector<1x1xi32>
    %reduce_min3A_37 = vector.extract %reduce_min3A_36[0, 0] : i32 from vector<1x1xi32>
    %get3A_38 = arith.constant 0 : index
    %get3A_39 = vector.load %arg4[%get3A_38] : memref<64xi32, #tpu.memory_space<vmem>>, vector<64xi32>
    %min3A = arith.minsi %reduce_min3A_23, %reduce_min3A_37 : i32
    %add3A = vector.broadcast %min3A : i32 to vector<64xi32>
    %add3A_40 = arith.addi %get3A_39, %add3A : vector<64xi32>
    %swap3A = arith.constant 0 : index
    %swap3A_41 = vector.load %arg5[%swap3A] : memref<64xi32, #tpu.memory_space<vmem>>, vector<64xi32>
    tpu.vector_store %arg5[%swap3A], %add3A_40 {strides = array<i32>} : memref<64xi32, #tpu.memory_space<vmem>>, vector<64xi32>,
    return
  }
}

</mosaic_0001>

<sc_bundles>
// kernel: kernel.5.cloned.1.call-start
scs
__scs_entry_jumppad:
0x0: {  	(pc) =	sbr.rel $0x88, $3  }
0x1: {  	(tag) =	ssettag $0x0;
	lr =	simm.s32 $0x1  }
0x2: {  	[smem:$0x3F9F] =	sst lr;
	_ =	strace $0xD0000000  }
0x3: {  	_ = 	snop  }
0x4: {  	_ = 	snop  }
0x5: {  	_ = 	snop  }
0x6: {  	_ = 	snop  }
0x7: {  	_ = 	snop  }
__scs_overlays_trampoline_lowered:
0x8: {  	[smem:$0x3FAE] =	sst s0  }
0x9: {  	[smem:$0x3FAF] =	sst s1  }
0xa: {  	[smem:$0x3FB0] =	sst s2  }
0xb: {  	[smem:$0x3FB1] =	sst s3  }
0xc: {  	[smem:$0x3FB2] =	sst s4  }
0xd: {  	[smem:$0x3FB3] =	sst s5  }
0xe: {  	[smem:$0x3FB4] =	sst s6  }
0xf: {  	[smem:$0x3FB5] =	sst s7  }
0x10: {  	[smem:$0x3FB6] =	sst s8  }
0x11: {  	[smem:$0x3FB7] =	sst s9;
	s0 =	simm.s32 @!p0 $0x0  }
0x12: {  	s1 =	sld [smem:$0x3F9D];
	s0 =	simm.s32 @p0 $0x1  }
0x13: {  	[smem:$0x3FB8] =	sst s0;
	s0 =	simm.s32 @!p1 $0x0  }
0x14: {  	s2 =	sld [smem:$0x3F9C];
	s0 =	simm.s32 @p1 $0x1  }
0x15: {  	[smem:$0x3FB9] =	sst s0;
	s0 =	simm.s32 @!p2 $0x0  }
0x16: {  	s3 =	sld [smem:$0x3FDB];
	s0 =	simm.s32 @p2 $0x1  }
0x17: {  	s4 =	simm.s32 $0x1BF5;
	[smem:$0x3FBB] =	sst s0  }
0x18: {  	s0 =	sld [smem:$0x3F9E];
	_ =	swait.ge [sflag:s4], $0x0  }
0x19: {  	s7 =	sld [smem:$0x3F9F]  }
0x1a: {  	s8 =	sadd.s32 $0xFFFFE003, lr  }
0x1b: {  	s9 =	sadd.s32 $0xFFFFFEF7, lr;
	s5 =	simm.s32 $0xFFFFFFFF;
	p2 =	slt.u32 s8, $0xFFFFF086  }
0x1c: {  	p1 =	slt.u32 s9, $0xF7A;
	s5 =	simm.s32 @!p2 $0x0  }
0x1d: {  	s5 =	simm.s32 @p1 $0x1;
	p0 =	seq.s32 s7, s2  }
0x1e: {  	s7 =	smul.u32 @!p0 $0xF7A, s2;
	p2 =	seq.s32 @!p0 s5, $0x0  }
0x1f: {  	s9 =	smul.u32 $0xF7A, s1;
	s8 =	simm.s32 @!p0 $0x1BF5;
	p2 =	por !p2, p0  }
0x20: {  	[sflag:s8] =	ssyncset.s32 @!p0 $0xFFFFF086;
	s6 =	sadd.s32 @!p0 s3, s7;
	s7 =	simm.s32 @!p0 $0x108  }
0x21: {  	s3 =	sadd.s32 s3, s9;
	s6 =	sadd.s32 @!p0 $0x88, s6;
	s7 =	simm.s32 @p2 $0x1082  }
0x22: {  	[simem:s7], [sflag:s8] =	dma.local @!p0 [hbm:s6], $0xF7A  }
0x23: {  	s9 =	sor.u32 $0xD0000000, s2;
	s6 =	simm.s32 $0x108;
	_ =	swait.ge @!p0 [sflag:s8], $0x0  }
0x24: {  	s3 =	sadd.s32 $0x88, s3;
	s6 =	simm.s32 @!p1 $0x1082;
	[sflag:s4] =	ssyncset.s32 $0xFFFFF086  }
0x25: {  	[simem:s6], [sflag:s4] =	dma.local [hbm:s3], $0xF7A  }
0x26: {  	[smem:$0x3F9F] =	sst s1;
	(tag) =	ssettag s2;
	_ =	strace s9  }
0x27: {  	s1 =	sld [smem:$0x3FAF]  }
0x28: {  	s2 =	sld [smem:$0x3FB0]  }
0x29: {  	s4 =	sld [smem:$0x3FB2]  }
0x2a: {  	p0 =	seq.s32 s5, $0x0;
	s5 =	sld [smem:$0x3FB3]  }
0x2b: {  	s6 =	sld [smem:$0x3FB4]  }
0x2c: {  	s7 =	sld [smem:$0x3FB5]  }
0x2d: {  	s3 =	simm.s32 $0x108;
	s8 =	sld [smem:$0x3FB6]  }
0x2e: {  	s3 =	simm.s32 @!p0 $0x1082;
	s9 =	sld [smem:$0x3FB7]  }
0x2f: {  	lr =	sadd.s32 s0, s3;
	s0 =	sld [smem:$0x3FAE]  }
0x30: {  	s3 =	sld [smem:$0x3FB1]  }
0x31: {  	[smem:$0x3FBA] =	sst s10  }
0x32: {  	s10 =	sld [smem:$0x3FB8];
	_ =	sdelay $0x3  }
0x33: {  	p0 =	seq.s32 s10, $0x1;
	s10 =	sld [smem:$0x3FBA];
	_ =	sdelay $0x3  }
0x34: {  	[smem:$0x3FBA] =	sst s10  }
0x35: {  	s10 =	sld [smem:$0x3FB9];
	_ =	sdelay $0x3  }
0x36: {  	p1 =	seq.s32 s10, $0x1;
	s10 =	sld [smem:$0x3FBA];
	_ =	sdelay $0x3  }
0x37: {  	[smem:$0x3FBA] =	sst s10  }
0x38: {  	s10 =	sld [smem:$0x3FBB]  }
0x39: {  	_ = 	snop;
	(pc) =	sbr.ind lr, $3  }
0x3a: {  	_ = 	snop  }
0x3b: {  	_ = 	snop  }
0x3c: {  	p2 =	seq.s32 s10, $0x1;
	s10 =	sld [smem:$0x3FBA]  }
0x3d: {  	_ =	shalt  }
0x3e: {  	_ =	shalt  }
0x3f: {  	_ =	shalt  }
0x40: {  	_ =	shalt  }
0x41: {  	_ =	shalt  }
0x42: {  	_ =	shalt  }
0x43: {  	_ =	shalt  }
0x44: {  	_ =	shalt  }
0x45: {  	_ =	shalt  }
0x46: {  	_ =	shalt  }
0x47: {  	_ =	shalt  }
0x48: {  	_ =	shalt  }
0x49: {  	_ =	shalt  }
0x4a: {  	_ =	shalt  }
0x4b: {  	_ =	shalt  }
0x4c: {  	_ =	shalt  }
0x4d: {  	_ =	shalt  }
0x4e: {  	_ =	shalt  }
0x4f: {  	_ =	shalt  }
0x50: {  	_ =	shalt  }
0x51: {  	_ =	shalt  }
0x52: {  	_ =	shalt  }
0x53: {  	_ =	shalt  }
0x54: {  	_ =	shalt  }
0x55: {  	_ =	shalt  }
0x56: {  	_ =	shalt  }
0x57: {  	_ =	shalt  }
0x58: {  	_ =	shalt  }
0x59: {  	_ =	shalt  }
0x5a: {  	_ =	shalt  }
0x5b: {  	_ =	shalt  }
0x5c: {  	_ =	shalt  }
0x5d: {  	_ =	shalt  }
0x5e: {  	_ =	shalt  }
0x5f: {  	_ =	shalt  }
0x60: {  	_ =	shalt  }
0x61: {  	_ =	shalt  }
0x62: {  	_ =	shalt  }
0x63: {  	_ =	shalt  }
0x64: {  	_ =	shalt  }
0x65: {  	_ =	shalt  }
0x66: {  	_ =	shalt  }
0x67: {  	_ =	shalt  }
0x68: {  	_ =	shalt  }
0x69: {  	_ =	shalt  }
0x6a: {  	_ =	shalt  }
0x6b: {  	_ =	shalt  }
0x6c: {  	_ =	shalt  }
0x6d: {  	_ =	shalt  }
0x6e: {  	_ =	shalt  }
0x6f: {  	_ =	shalt  }
0x70: {  	_ =	shalt  }
0x71: {  	_ =	shalt  }
0x72: {  	_ =	shalt  }
0x73: {  	_ =	shalt  }
0x74: {  	_ =	shalt  }
0x75: {  	_ =	shalt  }
0x76: {  	_ =	shalt  }
0x77: {  	_ =	shalt  }
0x78: {  	_ =	shalt  }
0x79: {  	_ =	shalt  }
0x7a: {  	_ =	shalt  }
0x7b: {  	_ =	shalt  }
0x7c: {  	_ =	shalt  }
0x7d: {  	_ =	shalt  }
0x7e: {  	_ =	shalt  }
0x7f: {  	_ =	shalt  }
0x80: {  	_ =	shalt  }
0x81: {  	_ =	shalt  }
0x82: {  	_ =	shalt  }
0x83: {  	_ =	shalt  }
0x84: {  	_ =	shalt  }
0x85: {  	_ =	shalt  }
0x86: {  	_ =	shalt  }
0x87: {  	_ =	shalt  }
.Lfunc_end0:
.L_simem_size_0:
called_computation_lowered:
.L_overlay_start_0:
0x88: {  	s2 =	sld [smem:$0x3FD9]  }
0x89: {  	s3 =	sld [smem:$0x3FFE];
	_ =	sdelay $0x1  }
0x8a: {  	s1 =	srdreg.scid  }
0x8b: {  	s0 =	sand.u32 $0x1, s1  }
0x8c: {  	s17 =	sshll.u32 s0, $0xA;
	s2 =	sadd.s32 s3, s2  }
0x8d: {  	s2 =	sadd.s32 s2, s17  }
0x8e: {  	[smem:$0x3FC6] =	sst s2  }
0x8f: {  	_ = 	snop  }
0x90: {  	s2 =	sld [smem:$0x3FC9];
	(tm) =	ssettm $0x1  }
0x91: {  	s18 =	sld [smem:$0x3FFB];
	_ =	sdelay $0x3  }
0x92: {  	_ =	strace s18  }
0x93: {  	s3 =	sld [smem:$0x3FFC];
	_ =	sdelay $0x3  }
0x94: {  	_ =	strace s3  }
0x95: {  	s3 =	sld [smem:$0x3FFD];
	_ =	sdelay $0x3  }
0x96: {  	_ =	strace s3  }
0x97: {  	_ =	strace $0x8FFFFFFF  }
0x98: {  	s19 =	sld [smem:$0x3FDB];
	_ =	sdelay $0x1  }
0x99: {  	s4 =	simm.s32 $_scs_section_size  }
0x9a: {  	s5 =	simm.s32 $_size__tile_overlayer_lowered;
	s6 =	simm.s32 $_tile_overlayer_lowered  }
0x9b: {  	s22 =	simm.s32 $0x1BFF;
	s21 =	sshll.u32 s6, $0x1;
	s3 =	sadd.s32 s4, s19  }
0x9c: {  	s7 =	simm.s32 $0x0;
	s20 =	sshll.u32 s5, $0x1;
	s5 =	sadd.s32 s21, s3  }
0x9d: {  	[timem:s7], [sflag:s22] =	dma.local [hbm:s5], s20  }
0x9e: {  	_ =	swait.ge [sflag:s22], s20  }
0x9f: {  	s4 =	ssub.s32 $0x0, s20;
	[sflag:s22] =	ssyncset.done $0x0  }
0xa0: {  	[sflag:s22] =	ssyncadd.s32 s4;
	_ =	sdelay $0x1  }
0xa1: {  	s23 =	simm.s32 $0x1B8B  }
0xa2: {  	_ =	swait.ge [sflag:s23], $0x1  }
0xa3: {  	[sflag:s23] =	ssyncset.done $0x0  }
0xa4: {  	s25 =	simm.s32 $0x1B8E;
	s24 =	sld [smem:$0x3FFE];
	[sflag:s23] =	ssyncadd.s32 $0xFFFFFFFF  }
0xa5: {  	s26 =	simm.s32 $execute0_lowered;
	[smem:$0x3FD2] =	sst s25  }
0xa6: {  	s5 =	sshll.u32 s26, $0x1;
	_ =	strace $0x80000046;
	[dreg:$0x1] =	wrdreg $0xFFFFFFFF  }
0xa7: {  	s28 =	simm.s32 $_size_execute0_lowered;
	s3 =	sadd.s32 s3, s5;
	[dreg:$0x0] =	wrdreg $0x0  }
0xa8: {  	s5 =	sshll.u32 s28, $0x1;
	[dreg:$0x2] =	wrdreg s3  }
0xa9: {  	[dreg:$0x3] =	wrdreg s5  }
0xaa: {  	[dreg:$0x4] =	wrdreg $0xC0  }
0xab: {  	_ =	task [dreg:s7], $0x5FFFF  }
0xac: {  	[dreg:$0x1] =	wrdreg $0xFFFFFFFF  }
0xad: {  	[dreg:$0x0] =	wrdreg $0x60  }
0xae: {  	[dreg:$0x2] =	wrdreg s2  }
0xaf: {  	[dreg:$0x3] =	wrdreg s24  }
0xb0: {  	[dreg:$0x4] =	wrdreg $0x9  }
0xb1: {  	_ =	task.clear_ibuf [dreg:s7], $0x5FFFF;
	_ =	strace $0x90000046  }
0xb2: {  	s29 =	simm.s32 $0x9;
	_ =	strace $0x80000048  }
0xb3: {  	_ =	swait.ge [sflag:s29], $0x1  }
0xb4: {  	[sflag:s29] =	ssyncadd.s32 $0xFFFFFFFF  }
0xb5: {  	_ =	strace $0x90000048  }
0xb6: {  	_ =	sfence  }
0xb7: {  	s30 =	sld [smem:$0x0];
	_ =	sdelay $0x2  }
0xb8: {  	s31 =	sshll.u32 s1, $0xD;
	s1 =	sshrl.u32 s1, $0x2  }
0xb9: {  	s3 =	sand.u32 $0x4000, s31;
	s1 =	sadd.s32 s1, s30  }
0xba: {  	s0 =	sor.u32 s3, s0;
	s1 =	sshll.u32 s1, $0x11  }
0xbb: {  	s0 =	sor.u32 s1, s0  }
0xbc: {  	s0 =	sadd.s32 $0x8F2B, s0  }
0xbd: {  	[sflag:s0] =	ssyncadd.remote.s32 $0x1  }
0xbe: {  	_ =	sfence.sel $0xFFFF  }
0xbf: {  	[dreg:$0x0] =	wrdreg $0xFFFFFFFF;
	(pc) =	sbr.abs _section_cstart, $3  }
0xc0: {  	[dreg:$0x1] =	wrdreg $0xFFFFFFFF  }
0xc1: {  	_ =	task.clear_ibuf [dreg:s7], $0x2FFFF;
	_ =	strace $0x9FFFFFFF  }
0xc2: {  	(tm) =	ssettm $0x7FFFFFFF  }
0xc3: {  	_ =	shalt  }
tec
execute0_lowered:
.L_overlay_start_1:
0x0: {  	(tag) =	ssettag $0x1  }
0x1: {  	s5 =	rddreg [dreg:$0x0]  }
0x2: {  	s1 =	srdreg.scid;
	s0 =	stileid.u32  }
0x3: {  	s3 =	rddreg [dreg:$0x1];
	s2 =	simm.s32 $0x0;
	s14 =	simm.s32 $0x2  }
0x4: {  	s15 =	simm.s32 $0x3;
	s17 =	simm.s32 $0xC080;
	s18 =	simm.s32 $0x0  }
0x5: {  	s4 =	sand.u32 $0x1, s1;
	s6 =	sshll.u32 s0, $0x1;
	[smem:$0x7FF] =	sst s2  }
0x6: {  	s1 =	rddreg [dreg:$0x2];
	s6 =	sor.u32 s4, s6;
	_ =	strace $0x80000047  }
0x7: {  	s26 =	ssub.s32 $0x2, s4;
	s4 =	sshll.u32 s4, $0x11;
	s7 =	smul.u32 $0x3, s6  }
0x8: {  	s8 =	sshll.u32 s6, $0x4;
	s28 =	sshrl.u32 s26, $0x1;
	s16 =	smul.u32 $0xC000, s6  }
0x9: {  	s8 =	sadd.s32 s8, s3;
	s9 =	sshll.u32 s7, $0xE;
	s10 =	sshll.u32 s7, $0x6  }
0xa: {  	s30 =	sadd.s32 $0x1, s7;
	s7 =	sadd.s32 $0x2, s7;
	s6 =	sadd.s32 $0x1200, s8  }
0xb: {  	v0 =	vmov s16;
	s16 =	simm.s32 $0xC000;
	s9 =	sor.u32 s9, s10;
	s10 =	ssub.s32 s26, s28  }
0xc: {  	s11 =	sshll.u32 s30, $0xB;
	s12 =	sshll.u32 s7, $0xE;
	s7 =	sshll.u32 s7, $0x6  }
0xd: {  	s13 =	sshll.u32 s30, $0xE;
	s9 =	sand.u32 $0x1C0380, s9;
	s11 =	sand.u32 $0x78000, s11  }
0xe: {  	s7 =	sor.u32 s12, s7;
	s31 =	sand.u32 $0x4000, s13;
	s12 =	simm.s32 $0x8000  }
0xf: {  	s13 =	simm.s32 $0x1;
	s29 =	sor.u32 s4, s9;
	s9 =	sshll.u32 s30, $0x3  }
0x10: {  	s7 =	sand.u32 $0x7FFC0380, s7;
	s11 =	sor.u32 s11, s31;
	s9 =	sand.u32 $0x70, s9  }
0x11: {  	s3 =	sshrl.u32 s29, $0x3;
	s7 =	sor.u32 s4, s7;
	s9 =	sadd.s32 s5, s9  }
0x12: {  	s3 =	sadd.s32 s5, s3;
	s7 =	sshrl.u32 s7, $0x3;
	s4 =	sadd.s32 s11, s9  }
0x13: {  	s5 =	sadd.s32 s5, s7;
	s7 =	sadd.s32 $0x1400, s8;
	s8 =	smax.u32 s10, $0x1  }
0x14: {  	v1 =	vlaneseq.u32;
	s9 =	simm.s32 $0x80;
	s10 =	simm.s32 $0x400;
	s11 =	simm.s32 $0x4000  }
.LBB2_1:
0x15: {  	[tilespmem:s2], [sflag:$0x1] =	stream.strided.gather [hbm4b:s3+s9], $0x4000, s10, s9, $0x38;
	[tilespmem:$0xC100] =	vst v63  }
0x16: {  	_ = 	snop  }
0x17: {  	[tilespmem:s11], [sflag:$0x2] =	stream.strided.gather [hbm4b:s4+s9], $0x4000, s10, s9, $0x38;
	[tilespmem:$0xC100] =	vst v63  }
0x18: {  	_ = 	snop  }
0x19: {  	[tilespmem:s12], [sflag:$0x3] =	stream.strided.gather [hbm4b:s5+s9], $0x4000, s10, s9, $0x38;
	[tilespmem:$0xC100] =	vst v63  }
0x1a: {  	_ =	swait.ge [sflag:s13], $0x4000  }
0x1b: {  	[sflag:s13] =	ssyncset.done $0x0  }
0x1c: {  	s19 =	simm.s32 $0x40;
	[sflag:s13] =	ssyncadd.s32 $0xFFFFC000  }
0x1d: {  	v4 =	vld [tilespmem:s19+$0xFFFFFFC0]  }
0x1e: {  	v5 =	vld [tilespmem:s19+$0xFFFFFFD0]  }
0x1f: {  	v9 =	vld [tilespmem:s19+$0xFFFFFFE0]  }
0x20: {  	v10 =	vld [tilespmem:s19+$0xFFFFFFF0]  }
0x21: {  	v11 =	vld [tilespmem:s19+$0x0]  }
0x22: {  	v12 =	vld [tilespmem:s19+$0x10]  }
0x23: {  	v17 =	vld [tilespmem:s19+$0x20];
	_ =	sdelay $0x1  }
0x24: {  	v18 =	vimm.f32 $-Inf;
	s20 =	simm.s32 $0xC0;
	v19 =	vld [tilespmem:s19+$0x30]  }
0x25: {  	v2 =	vimm.s32 $0x0;
	v8 =	vld [tilespmem:s20+$0xFFFFFFC0];
	vm0 =	vgt.f32 v4, v18;
	vm1 =	vgt.f32 v5, v18  }
0x26: {  	v3 =	vld [tilespmem:s20+$0xFFFFFFD0];
	vm2 =	vgt.f32 v9, v18;
	vm3 =	vgt.f32 v10, v18;
	vm4 =	vgt.f32 v11, v18  }
0x27: {  	v27 =	vld [tilespmem:s20+$0xFFFFFFE0];
	vm5 =	vgt.f32 v12, v18;
	vm6 =	vgt.f32 v17, v18;
	v6 =	vsel vm0, v4, v18  }
0x28: {  	v21 =	vld [tilespmem:s20+$0x0];
	v7 =	vsel vm0, s2, v2;
	v4 =	vsel vm1, v5, v18;
	v13 =	vsel vm2, v9, v18  }
0x29: {  	v15 =	vld [tilespmem:s20+$0x10];
	v14 =	vsel vm3, v10, v18;
	v10 =	vsel vm4, v11, v18;
	vm0 =	vgt.f32 v19, v18  }
0x2a: {  	v5 =	vld [tilespmem:s20+$0xFFFFFFF0];
	v16 =	vsel vm5, v12, v18;
	v17 =	vsel vm6, v17, v18;
	v20 =	vsel vm2, s2, v2  }
0x2b: {  	s21 =	simm.s32 $0x140;
	v25 =	vld [tilespmem:s20+$0x20];
	v23 =	vsel vm4, s2, v2;
	v24 =	vsel vm5, s2, v2;
	v22 =	vsel vm6, s2, v2  }
0x2c: {  	s22 =	simm.s32 $0x2;
	s19 =	simm.s32 $0x1;
	v26 =	vld [tilespmem:s20+$0x30];
	s20 =	simm.s32 $0x0;
	v12 =	vsel vm0, v19, v18;
	v19 =	vsel vm1, s2, v2;
	v18 =	vsel vm3, s2, v2  }
.LBB2_2:
0x2d: {  	v9 =	vld [tilespmem:s21+$0xFFFFFFC0];
	p0 =	sne.s32 s22, $0x7F;
	vm1 =	vgt.f32 v8, v6;
	vm2 =	vgt.f32 v3, v4;
	v2 =	vsel vm0, s20, v2;
	s20 =	smov.u32 s19;
	s19 =	smov.u32 s22  }
0x2e: {  	v6 =	vsel vm1, v8, v6;
	v7 =	vsel vm1, s20, v7;
	v4 =	vsel vm2, v3, v4;
	v3 =	vld [tilespmem:s21+$0xFFFFFFD0]  }
0x2f: {  	vm3 =	vgt.f32 v5, v14;
	vm1 =	vgt.f32 v27, v13;
	vm4 =	vgt.f32 v21, v10;
	v11 =	vld [tilespmem:s21+$0xFFFFFFE0]  }
.Ltmp0:
0x30: {  	v14 =	vsel vm3, v5, v14;
	v13 =	vsel vm1, v27, v13;
	v10 =	vsel vm4, v21, v10;
	v5 =	vld [tilespmem:s21+$0xFFFFFFF0];
	(pc) =	sbr.rel @p0 .LBB2_2-.Ltmp0, $4  }
0x31: {  	vm5 =	vgt.f32 v15, v16;
	vm6 =	vgt.f32 v25, v17;
	v21 =	vld [tilespmem:s21+$0x0];
	vm0 =	vgt.f32 v26, v12  }
0x32: {  	v16 =	vsel vm5, v15, v16;
	v17 =	vsel vm6, v25, v17;
	v15 =	vld [tilespmem:s21+$0x10];
	v12 =	vsel vm0, v26, v12;
	v8 =	vmovc v9  }
0x33: {  	v19 =	vsel vm2, s20, v19;
	v18 =	vsel vm3, s20, v18;
	v20 =	vsel vm1, s20, v20;
	v25 =	vld [tilespmem:s21+$0x20]  }
0x34: {  	s22 =	sadd.s32 $0x1, s22;
	v23 =	vsel vm4, s20, v23;
	v24 =	vsel vm5, s20, v24;
	v22 =	vsel vm6, s20, v22;
	v26 =	vld [tilespmem:s21+$0x30];
	s21 =	sadd.s32 $0x80, s21;
	v27 =	vmovc v11  }
0x35: {  	_ =	swait.ge [sflag:s14], $0x4000  }
0x36: {  	[sflag:s14] =	ssyncset.done $0x0  }
0x37: {  	s21 =	simm.s32 $0x4040;
	[sflag:s14] =	ssyncadd.s32 $0xFFFFC000  }
0x38: {  	vm1 =	vgt.f32 v8, v6;
	vm2 =	vgt.f32 v3, v4;
	v29 =	vld [tilespmem:s21+$0xFFFFFFC0]  }
0x39: {  	v28 =	vsel vm0, s20, v2;
	vm0 =	vgt.f32 v27, v13;
	v8 =	vsel vm1, v8, v6;
	v30 =	vld [tilespmem:s21+$0xFFFFFFD0]  }
0x3a: {  	v11 =	vsel vm1, s19, v7;
	vm1 =	vgt.f32 v5, v14;
	v6 =	vsel vm0, v27, v13;
	v27 =	vld [tilespmem:s21+$0xFFFFFFE0]  }
0x3b: {  	v9 =	vsel vm2, v3, v4;
	vm3 =	vgt.f32 v21, v10;
	v7 =	vsel vm1, v5, v14;
	v31 =	vld [tilespmem:s21+$0xFFFFFFF0]  }
0x3c: {  	v2 =	vsel vm3, v21, v10;
	vm4 =	vgt.f32 v15, v16;
	v14 =	vsel vm3, s19, v23;
	v32 =	vld [tilespmem:s21+$0x0]  }
0x3d: {  	vm5 =	vgt.f32 v25, v17;
	v5 =	vsel vm4, v15, v16;
	v15 =	vsel vm0, s19, v20;
	v33 =	vld [tilespmem:s21+$0x10]  }
0x3e: {  	v16 =	vsel vm1, s19, v18;
	v13 =	vsel vm4, s19, v24;
	v34 =	vld [tilespmem:s21+$0x20];
	v18 =	vimm.s32 $0x0  }
0x3f: {  	vm6 =	vgt.f32 v26, v12;
	v3 =	vsel vm5, v25, v17;
	v17 =	vsel vm2, s19, v19  }
0x40: {  	s31 =	simm.s32 $0x40C0;
	v36 =	vld [tilespmem:s21+$0x30];
	v4 =	vsel vm6, v26, v12;
	v10 =	vsel vm6, s19, v28;
	v28 =	vimm.f32 $-Inf  }
0x41: {  	v20 =	vld [tilespmem:s31+$0xFFFFFFD0];
	v12 =	vsel vm5, s19, v22;
	vm0 =	vgt.f32 v29, v28;
	vm1 =	vgt.f32 v30, v28  }
0x42: {  	v41 =	vld [tilespmem:s31+$0xFFFFFFE0];
	vm2 =	vgt.f32 v27, v28;
	vm3 =	vgt.f32 v31, v28;
	vm13 =	vgt.f32 v32, v28  }
0x43: {  	v35 =	vld [tilespmem:s31+$0x0];
	s19 =	simm.s32 $0x0;
	vm14 =	vgt.f32 v33, v28;
	vm15 =	vgt.f32 v34, v28;
	v19 =	vsel vm0, v29, v28  }
0x44: {  	v26 =	vld [tilespmem:s31+$0xFFFFFFC0];
	v24 =	vsel vm0, s19, v18;
	v21 =	vsel vm1, v30, v28;
	v25 =	vsel vm2, v27, v28  }
0x45: {  	v39 =	vld [tilespmem:s31+$0x20];
	v29 =	vsel vm3, v31, v28;
	v23 =	vsel vm13, v32, v28;
	vm0 =	vgt.f32 v36, v28  }
0x46: {  	v22 =	vld [tilespmem:s31+$0xFFFFFFF0];
	v31 =	vsel vm14, v33, v28;
	v32 =	vsel vm15, v34, v28;
	v33 =	vsel vm1, s19, v18  }
0x47: {  	v40 =	vld [tilespmem:s31+$0x30];
	v34 =	vsel vm2, s19, v18;
	v37 =	vsel vm13, s19, v18;
	v38 =	vsel vm14, s19, v18  }
0x48: {  	s20 =	simm.s32 $0x1;
	s22 =	simm.s32 $0x2;
	s21 =	simm.s32 $0x4140;
	v30 =	vld [tilespmem:s31+$0x10];
	v27 =	vsel vm0, v36, v28;
	v28 =	vsel vm3, s19, v18;
	v36 =	vsel vm15, s19, v18  }
.LBB2_4:
0x49: {  	v42 =	vld [tilespmem:s21+$0xFFFFFFC0];
	p0 =	sne.s32 s22, $0x7F;
	vm1 =	vgt.f32 v26, v19;
	vm2 =	vgt.f32 v20, v21;
	v18 =	vsel vm0, s19, v18;
	s19 =	smov.u32 s20;
	s20 =	smov.u32 s22  }
0x4a: {  	v19 =	vsel vm1, v26, v19;
	v24 =	vsel vm1, s19, v24;
	v21 =	vsel vm2, v20, v21;
	v20 =	vld [tilespmem:s21+$0xFFFFFFD0]  }
0x4b: {  	vm3 =	vgt.f32 v22, v29;
	vm1 =	vgt.f32 v41, v25;
	vm4 =	vgt.f32 v35, v23;
	v43 =	vld [tilespmem:s21+$0xFFFFFFE0]  }
.Ltmp1:
0x4c: {  	v29 =	vsel vm3, v22, v29;
	v25 =	vsel vm1, v41, v25;
	v23 =	vsel vm4, v35, v23;
	v22 =	vld [tilespmem:s21+$0xFFFFFFF0];
	(pc) =	sbr.rel @p0 .LBB2_4-.Ltmp1, $4  }
0x4d: {  	vm5 =	vgt.f32 v30, v31;
	vm6 =	vgt.f32 v39, v32;
	v35 =	vld [tilespmem:s21+$0x0];
	vm0 =	vgt.f32 v40, v27  }
0x4e: {  	v31 =	vsel vm5, v30, v31;
	v32 =	vsel vm6, v39, v32;
	v30 =	vld [tilespmem:s21+$0x10];
	v27 =	vsel vm0, v40, v27;
	v26 =	vmovc v42  }
0x4f: {  	v33 =	vsel vm2, s19, v33;
	v28 =	vsel vm3, s19, v28;
	v34 =	vsel vm1, s19, v34;
	v39 =	vld [tilespmem:s21+$0x20]  }
0x50: {  	s22 =	sadd.s32 $0x1, s22;
	v37 =	vsel vm4, s19, v37;
	v38 =	vsel vm5, s19, v38;
	v36 =	vsel vm6, s19, v36;
	v40 =	vld [tilespmem:s21+$0x30];
	s21 =	sadd.s32 $0x80, s21;
	v41 =	vmovc v43  }
0x51: {  	_ =	swait.ge [sflag:s15], $0x4000  }
0x52: {  	[sflag:s15] =	ssyncset.done $0x0  }
0x53: {  	s21 =	simm.s32 $0x8040;
	[sflag:s15] =	ssyncadd.s32 $0xFFFFC000  }
0x54: {  	vm1 =	vgt.f32 v26, v19;
	vm2 =	vgt.f32 v20, v21;
	v43 =	vld [tilespmem:s21+$0xFFFFFFC0]  }
0x55: {  	v42 =	vsel vm0, s19, v18;
	vm0 =	vgt.f32 v41, v25;
	v49 =	vimm.f32 $-Inf;
	v44 =	vld [tilespmem:s21+$0xFFFFFFD0]  }
0x56: {  	v19 =	vsel vm1, v26, v19;
	v26 =	vsel vm1, s20, v24;
	v21 =	vsel vm2, v20, v21;
	v63 =	vld [tilespmem:s21+$0xFFFFFFE0]  }
0x57: {  	vm1 =	vgt.f32 v22, v29;
	vm3 =	vgt.f32 v35, v23;
	v24 =	vsel vm0, v41, v25;
	v45 =	vld [tilespmem:s21+$0xFFFFFFF0]  }
0x58: {  	v25 =	vsel vm1, v22, v29;
	v18 =	vsel vm3, v35, v23;
	vm4 =	vgt.f32 v30, v31;
	v46 =	vld [tilespmem:s21+$0x0]  }
0x59: {  	vm5 =	vgt.f32 v39, v32;
	v22 =	vsel vm4, v30, v31;
	v31 =	vsel vm2, s20, v33;
	v47 =	vld [tilespmem:s21+$0x10]  }
0x5a: {  	v33 =	vsel vm1, s20, v28;
	v28 =	vsel vm3, s20, v37;
	v29 =	vsel vm4, s20, v38;
	v48 =	vld [tilespmem:s21+$0x20]  }
0x5b: {  	vm6 =	vgt.f32 v40, v27;
	v20 =	vsel vm5, v39, v32;
	v32 =	vsel vm0, s20, v34  }
0x5c: {  	s31 =	simm.s32 $0x80C0;
	v54 =	vld [tilespmem:s21+$0x30];
	v30 =	vsel vm5, s20, v36;
	v34 =	vimm.s32 $0x0;
	v23 =	vsel vm6, v40, v27  }
0x5d: {  	v35 =	vld [tilespmem:s31+$0xFFFFFFD0];
	v27 =	vsel vm6, s20, v42;
	vm0 =	vgt.f32 v43, v49;
	vm1 =	vgt.f32 v44, v49  }
0x5e: {  	v57 =	vld [tilespmem:s31+$0xFFFFFFE0];
	vm2 =	vgt.f32 v63, v49;
	vm3 =	vgt.f32 v45, v49;
	vm13 =	vgt.f32 v46, v49  }
0x5f: {  	v51 =	vld [tilespmem:s31+$0x0];
	s20 =	simm.s32 $0x0;
	vm14 =	vgt.f32 v47, v49;
	vm15 =	vgt.f32 v48, v49;
	v36 =	vsel vm0, v43, v49  }
0x60: {  	v40 =	vld [tilespmem:s31+$0xFFFFFFC0];
	v38 =	vsel vm0, s20, v34;
	v37 =	vsel vm1, v44, v49;
	v41 =	vsel vm2, v63, v49  }
0x61: {  	v52 =	vld [tilespmem:s31+$0x10];
	v42 =	vsel vm3, v45, v49;
	v50 =	vsel vm13, v46, v49;
	vm0 =	vgt.f32 v54, v49  }
0x62: {  	v39 =	vld [tilespmem:s31+$0xFFFFFFF0];
	v53 =	vsel vm14, v47, v49;
	v46 =	vsel vm15, v48, v49;
	v56 =	vsel vm1, s20, v34  }
0x63: {  	v48 =	vld [tilespmem:s31+$0x20];
	v55 =	vsel vm3, s20, v34;
	v47 =	vsel vm13, s20, v34;
	v45 =	vsel vm14, s20, v34  }
0x64: {  	s19 =	simm.s32 $0x1;
	s22 =	simm.s32 $0x2;
	s21 =	simm.s32 $0x8140;
	v43 =	vsel vm15, s20, v34;
	v44 =	vsel vm0, v54, v49;
	v54 =	vsel vm2, s20, v34;
	v49 =	vld [tilespmem:s31+$0x30]  }
.LBB2_6:
0x65: {  	v58 =	vld [tilespmem:s21+$0xFFFFFFC0];
	p0 =	sne.s32 s22, $0x7F;
	vm1 =	vgt.f32 v40, v36;
	vm2 =	vgt.f32 v35, v37;
	v34 =	vsel vm0, s20, v34;
	s20 =	smov.u32 s19;
	s19 =	smov.u32 s22  }
0x66: {  	v36 =	vsel vm1, v40, v36;
	v38 =	vsel vm1, s20, v38;
	v37 =	vsel vm2, v35, v37;
	v35 =	vld [tilespmem:s21+$0xFFFFFFD0]  }
0x67: {  	vm3 =	vgt.f32 v39, v42;
	vm1 =	vgt.f32 v57, v41;
	vm4 =	vgt.f32 v51, v50;
	v59 =	vld [tilespmem:s21+$0xFFFFFFE0]  }
.Ltmp2:
0x68: {  	v42 =	vsel vm3, v39, v42;
	v41 =	vsel vm1, v57, v41;
	v50 =	vsel vm4, v51, v50;
	v39 =	vld [tilespmem:s21+$0xFFFFFFF0];
	(pc) =	sbr.rel @p0 .LBB2_6-.Ltmp2, $4  }
0x69: {  	vm5 =	vgt.f32 v52, v53;
	vm6 =	vgt.f32 v48, v46;
	v51 =	vld [tilespmem:s21+$0x0];
	vm0 =	vgt.f32 v49, v44  }
0x6a: {  	v53 =	vsel vm5, v52, v53;
	v46 =	vsel vm6, v48, v46;
	v52 =	vld [tilespmem:s21+$0x10];
	v44 =	vsel vm0, v49, v44;
	v40 =	vmovc v58  }
0x6b: {  	v56 =	vsel vm2, s20, v56;
	v55 =	vsel vm3, s20, v55;
	v54 =	vsel vm1, s20, v54;
	v48 =	vld [tilespmem:s21+$0x20]  }
0x6c: {  	s22 =	sadd.s32 $0x1, s22;
	v47 =	vsel vm4, s20, v47;
	v45 =	vsel vm5, s20, v45;
	v43 =	vsel vm6, s20, v43;
	v49 =	vld [tilespmem:s21+$0x30];
	s21 =	sadd.s32 $0x80, s21;
	v57 =	vmovc v59  }
0x6d: {  	vm1 =	vgt.f32 v40, v36;
	vm3 =	vgt.f32 v35, v37  }
0x6e: {  	v58 =	vsel vm0, s20, v34;
	vm4 =	vgt.f32 v57, v41;
	vm5 =	vgt.f32 v39, v42  }
0x6f: {  	v59 =	vshll.u32 v16, $0x7;
	v16 =	vor.u32 $0x30, v1;
	v60 =	vshll.u32 v14, $0x7  }
0x70: {  	vm13 =	veq.f32 v8, v9;
	v14 =	vor.u32 $0x40, v1;
	vm15 =	vgt.f32 v8, v9  }
0x71: {  	v61 =	vshll.u32 v13, $0x7;
	v13 =	vor.u32 $0x50, v1;
	v12 =	vshll.u32 v12, $0x7  }
0x72: {  	vm8 =	veq.f32 v6, v7;
	vm10 =	vgt.f32 v6, v7;
	v10 =	vshll.u32 v10, $0x7  }
0x73: {  	vm11 =	veq.f32 v2, v5;
	vm6 =	vgt.f32 v3, v4;
	v26 =	vshll.u32 v26, $0x7  }
0x74: {  	v28 =	vshll.u32 v28, $0x7;
	v29 =	vshll.u32 v29, $0x7;
	v30 =	vshll.u32 v30, $0x7  }
0x75: {  	v27 =	vshll.u32 v27, $0x7;
	v36 =	vsel vm1, v40, v36;
	v40 =	vsel vm1, s19, v38  }
0x76: {  	v37 =	vsel vm3, v35, v37;
	vm1 =	vgt.f32 v51, v50;
	v38 =	vsel vm4, v57, v41  }
0x77: {  	v39 =	vsel vm5, v39, v42;
	v41 =	vsel vm3, s19, v56;
	v42 =	vsel vm5, s19, v55  }
0x78: {  	v56 =	vshll.u32 v17, $0x7;
	v17 =	vor.u32 $0x10, v1;
	v57 =	vshll.u32 v15, $0x7  }
0x79: {  	v15 =	vor.u32 $0x20, v1;
	v55 =	vor.u32 v13, v61;
	v61 =	vshll.u32 v32, $0x7  }
0x7a: {  	v28 =	vor.u32 v14, v28;
	v29 =	vor.u32 v13, v29;
	v34 =	vsel vm1, v51, v50  }
0x7b: {  	vm2 =	vgt.f32 v52, v53;
	v51 =	vor.u32 v17, v56;
	vm0 =	vgt.f32 v48, v46  }
0x7c: {  	v35 =	vsel vm2, v52, v53;
	v53 =	vshll.u32 v11, $0x7;
	v11 =	vsel vm4, s19, v54  }
0x7d: {  	v52 =	vor.u32 v15, v57;
	v54 =	vor.u32 v14, v60;
	v56 =	vsel vm2, s19, v45  }
0x7e: {  	v60 =	vshll.u32 v31, $0x7;
	v31 =	vor.u32 v15, v61;
	v50 =	vor.u32 v1, v53  }
0x7f: {  	v53 =	vor.u32 v16, v59;
	vm12 =	vlt.s32 v54, v55;
	vm5 =	vgt.f32 v49, v44  }
0x80: {  	v57 =	vsel vm0, s19, v43;
	v59 =	vor.u32 v1, v26;
	v26 =	vor.u32 v17, v60  }
0x81: {  	v11 =	vshll.u32 v11, $0x7;
	vm14 =	vlt.s32 v50, v51;
	vm9 =	vlt.s32 v52, v53  }
0x82: {  	v58 =	vsel vm5, s19, v58;
	v11 =	vor.u32 v15, v11;
	vm3 =	vmand vm13, vm14  }
0x83: {  	vm13 =	vgt.f32 v2, v5;
	vm14 =	veq.f32 v3, v4;
	vm3 =	vmor vm15, vm3  }
0x84: {  	v62 =	vsel vm3, v8, v9;
	v50 =	vsel vm3, v50, v51;
	v51 =	vor.u32 $0x60, v1  }
0x85: {  	vm3 =	vmand vm8, vm9;
	v8 =	vor.u32 $0x70, v1;
	v9 =	vshll.u32 v57, $0x7  }
0x86: {  	v12 =	vor.u32 v51, v12;
	vm3 =	vmor vm10, vm3;
	v10 =	vor.u32 v8, v10  }
0x87: {  	v30 =	vor.u32 v51, v30;
	v27 =	vor.u32 v8, v27;
	v9 =	vor.u32 v51, v9  }
0x88: {  	v63 =	vsel vm3, v6, v7;
	v53 =	vsel vm3, v52, v53;
	vm3 =	vmand vm11, vm12  }
0x89: {  	vm15 =	vlt.s32 v12, v10;
	v52 =	vshll.u32 v40, $0x7;
	vm3 =	vmor vm13, vm3  }
0x8a: {  	vm4 =	vmand vm14, vm15;
	vm10 =	veq.f32 v62, v63;
	vm11 =	vlt.s32 v50, v53  }
0x8b: {  	vm12 =	vgt.f32 v62, v63;
	v2 =	vsel vm3, v2, v5;
	v54 =	vsel vm3, v54, v55  }
0x8c: {  	vm9 =	vmor vm6, vm4;
	vm4 =	vmand vm10, vm11;
	vm10 =	veq.f32 v19, v21  }
0x8d: {  	vm11 =	vlt.s32 v59, v26;
	v5 =	vshll.u32 v56, $0x7;
	v56 =	vshll.u32 v58, $0x7  }
0x8e: {  	v3 =	vsel vm9, v3, v4;
	v55 =	vsel vm9, v12, v10;
	vm3 =	vmor vm12, vm4  }
0x8f: {  	v10 =	vsel vm0, v48, v46;
	v12 =	vsel vm5, v49, v44;
	v4 =	vsel vm1, s19, v47  }
0x90: {  	vm9 =	vgt.f32 v19, v21;
	vm12 =	veq.f32 v24, v25;
	vm2 =	vmand vm10, vm11  }
0x91: {  	vm10 =	vlt.s32 v28, v29;
	vm11 =	veq.f32 v20, v23;
	v5 =	vor.u32 v13, v5  }
0x92: {  	v8 =	vor.u32 v8, v56;
	vm13 =	veq.f32 v2, v3;
	vm14 =	vlt.s32 v54, v55  }
0x93: {  	vm15 =	vgt.f32 v2, v3;
	v6 =	vsel vm3, v62, v63;
	v7 =	vsel vm3, v50, v53  }
0x94: {  	v62 =	vshll.u32 v33, $0x7;
	v53 =	vshll.u32 v41, $0x7;
	v4 =	vshll.u32 v4, $0x7  }
0x95: {  	vm4 =	vmand vm13, vm14;
	v32 =	vor.u32 v16, v62;
	vm14 =	vgt.f32 v24, v25  }
0x96: {  	v17 =	vor.u32 v17, v53;
	v4 =	vor.u32 v14, v4;
	vm4 =	vmor vm15, vm4  }
0x97: {  	vm13 =	vlt.s32 v31, v32;
	v2 =	vsel vm4, v2, v3;
	v3 =	vsel vm4, v54, v55  }
0x98: {  	vm4 =	vmand vm12, vm13;
	vm12 =	vlt.s32 v30, v27;
	vm13 =	vgt.f32 v20, v23  }
0x99: {  	v54 =	vshll.u32 v42, $0x7;
	vm7 =	veq.f32 v6, v2;
	vm3 =	vlt.s32 v7, v3  }
0x9a: {  	vm8 =	vgt.f32 v6, v2;
	vm15 =	vmor vm14, vm4;
	vm4 =	vmand vm11, vm12  }
0x9b: {  	v55 =	vor.u32 v16, v54;
	vm1 =	vmand vm7, vm3;
	v33 =	vsel vm15, v24, v25  }
0x9c: {  	v44 =	vsel vm15, v31, v32;
	vm14 =	vmor vm13, vm4;
	vm0 =	vmor vm8, vm1  }
0x9d: {  	vm1 =	vmor vm9, vm2;
	vm8 =	vgt.f32 v18, v22;
	vm9 =	veq.f32 v18, v22  }
0x9e: {  	v47 =	vsel vm14, v20, v23;
	v48 =	vsel vm14, v30, v27;
	v20 =	vor.u32 v1, v52  }
0x9f: {  	vm14 =	vgt.f32 v36, v37;
	v2 =	vsel vm0, v6, v2;
	v63 =	vsel vm1, v19, v21  }
0xa0: {  	v6 =	vsel vm1, v59, v26;
	vm3 =	vmand vm9, vm10;
	v3 =	vsel vm0, v7, v3  }
0xa1: {  	vm1 =	vmor vm8, vm3;
	vm15 =	vgt.f32 v63, v33;
	vm6 =	veq.f32 v63, v33  }
0xa2: {  	vm7 =	vlt.s32 v6, v44;
	v45 =	vsel vm1, v18, v22;
	v46 =	vsel vm1, v28, v29  }
0xa3: {  	vm2 =	vmand vm6, vm7;
	vm8 =	veq.f32 v45, v47;
	vm9 =	vlt.s32 v46, v48  }
0xa4: {  	vm1 =	vmor vm15, vm2;
	vm10 =	vgt.f32 v45, v47;
	vm15 =	veq.f32 v36, v37  }
0xa5: {  	vm3 =	vmand vm8, vm9;
	v49 =	vsel vm1, v63, v33;
	v6 =	vsel vm1, v6, v44  }
0xa6: {  	vm9 =	vlt.s32 v20, v17;
	vm8 =	vlt.s32 v4, v5;
	vm11 =	vmor vm10, vm3  }
0xa7: {  	vm10 =	veq.f32 v38, v39;
	vm3 =	vmand vm15, vm9;
	vm15 =	veq.f32 v34, v35  }
0xa8: {  	vm9 =	veq.f32 v10, v12;
	v18 =	vsel vm11, v45, v47;
	v50 =	vsel vm11, v46, v48  }
0xa9: {  	vm11 =	vlt.s32 v11, v55;
	vm2 =	vmor vm14, vm3;
	vm14 =	vgt.f32 v34, v35  }
0xaa: {  	vm4 =	vmand vm15, vm8;
	vm12 =	veq.f32 v49, v18;
	vm13 =	vlt.s32 v6, v50  }
0xab: {  	vm0 =	vgt.f32 v49, v18;
	vm5 =	vmand vm10, vm11;
	v57 =	vsel vm2, v36, v37  }
0xac: {  	v58 =	vsel vm2, v20, v17;
	vm10 =	vlt.s32 v9, v8;
	vm2 =	vmor vm14, vm4  }
0xad: {  	vm11 =	vgt.f32 v10, v12;
	vm1 =	vmand vm12, vm13;
	vm12 =	vgt.f32 v38, v39  }
0xae: {  	v60 =	vsel vm2, v34, v35;
	vm13 =	vmor vm12, vm5;
	vm5 =	vmand vm9, vm10  }
0xaf: {  	v4 =	vsel vm2, v4, v5;
	v59 =	vsel vm13, v38, v39;
	vm12 =	vmor vm11, vm5  }
0xb0: {  	v11 =	vsel vm13, v11, v55;
	v61 =	vsel vm12, v10, v12;
	v8 =	vsel vm12, v9, v8  }
0xb1: {  	vm13 =	vgt.f32 v57, v59;
	vm14 =	veq.f32 v57, v59;
	vm15 =	vlt.s32 v58, v11  }
0xb2: {  	vm3 =	vmand vm14, vm15;
	vm8 =	veq.f32 v60, v61;
	vm9 =	vlt.s32 v4, v8  }
0xb3: {  	vm10 =	vgt.f32 v60, v61;
	vm2 =	vmor vm13, vm3;
	vm4 =	vmand vm8, vm9  }
0xb4: {  	vm0 =	vmor vm0, vm1;
	v62 =	vsel vm2, v57, v59;
	vm11 =	vmor vm10, vm4  }
0xb5: {  	v63 =	vsel vm2, v58, v11;
	v5 =	vsel vm11, v60, v61;
	v4 =	vsel vm11, v4, v8  }
0xb6: {  	v7 =	vsel vm0, v49, v18;
	vm12 =	veq.f32 v62, v5;
	vm2 =	vlt.s32 v63, v4  }
0xb7: {  	v6 =	vsel vm0, v6, v50;
	vm13 =	vgt.f32 v62, v5;
	vm1 =	vmand vm12, vm2  }
0xb8: {  	v6 =	vadd.s32 $0x4000, v6;
	vm14 =	vgt.f32 v7, v2;
	vm0 =	vmor vm13, vm1  }
0xb9: {  	v2 =	vsel vm14, v7, v2;
	v5 =	vsel vm0, v62, v5;
	v4 =	vsel vm0, v63, v4  }
0xba: {  	v3 =	vsel vm14, v6, v3;
	v4 =	vadd.s32 $0x8000, v4;
	vm15 =	vgt.f32 v5, v2  }
0xbb: {  	v2 =	vsel vm15, v5, v2;
	v3 =	vsel vm15, v4, v3  }
0xbc: {  	[tilespmem:$0xC000] =	vst v2;
	v2 =	vadd.s32 v0, v3  }
0xbd: {  	[tilespmem:$0xC080] =	vst v2  }
0xbe: {  	[hbm4b:s6+s2] =	stream.linear.scatter [tilespmem:s16], [sflag:$0x1], $0x80, $0x38;
	[tilespmem:$0xC100] =	vst v63  }
0xbf: {  	s18 =	sadd.s32 $0x1, s18  }
0xc0: {  	[hbm4b:s7+s2] =	stream.linear.scatter [tilespmem:s17], [sflag:$0x2], $0x80, $0x38;
	[tilespmem:$0xC100] =	vst v63  }
0xc1: {  	p0 =	sne.s32 s18, s8;
	_ =	swait.ge [sflag:s13], $0x80  }
.Ltmp3:
0xc2: {  	[sflag:s13] =	ssyncset.done $0x0;
	(pc) =	sbr.rel @p0 .LBB2_1-.Ltmp3, $4  }
0xc3: {  	[sflag:s13] =	ssyncadd.s32 $0xFFFFFF80  }
0xc4: {  	_ =	swait.ge [sflag:s14], $0x80  }
0xc5: {  	[sflag:s14] =	ssyncset.done $0x0  }
0xc6: {  	[sflag:s14] =	ssyncadd.s32 $0xFFFFFF80  }
0xc7: {  	_ =	sfence.sel $0x180000  }
0xc8: {  	[bflag:$0x0] =	sbarrier.arrive $0xFFFF  }
0xc9: {  	p0 =	sne.s32 s0, $0x0;
	_ =	strace $0x90000047  }
0xca: {  	s0 =	sadd.s32 @!p0 $0x100000, s1;
	[bflag:$0x2] =	sbarrier.arrive $0xFFFF  }
0xcb: {  	[sflag:s0] =	ssyncadd.tile.s32 @!p0 $0x1;
	_ =	shalt  }
.Lfunc_end2:
_tile_overlayer_lowered:
.L_overlay_start_2:
0xcc: {  	(tag) =	ssettag $0x2  }
0xcd: {  	s0 =	rddreg [dreg:$0x0];
	s2 =	stileid.u32  }
0xce: {  	s1 =	rddreg [dreg:$0x1];
	p0 =	sne.s32 s2, $0x0  }
0xcf: {  	s3 =	rddreg [dreg:$0x2];
	[bflag:$0x3] =	sbarrier.arrive $0xFFFF;
	s2 =	simm.s32 @!p0 $0x1C04  }
0xd0: {  	[timem:s3], [sflag:s2] =	dma.local @!p0 [hbm:s0], s1  }
0xd1: {  	s0 =	simm.s32 @!p0 $0x4  }
0xd2: {  	_ =	swait.ge @!p0 [sflag:s0], s1  }
0xd3: {  	s1 =	ssub.s32 @!p0 $0x0, s1;
	[sflag:s0] =	ssyncset.done @!p0 $0x0  }
0xd4: {  	[sflag:s0] =	ssyncadd.s32 @!p0 s1  }
0xd5: {  	[bflag:$0x3] =	sbarrier.arrive $0xFFFF  }
0xd6: {  	_ =	shalt  }

</sc_bundles>
